<compile_context>
chip_gen: v7x
topology: tpu7x:2x2x1
jax: 0.10.2.dev20260603
libtpu: 0.0.44.dev20260713+nightly
codegen_flags: <defaults>
</compile_context>

<pallas_src>
import functools

import jax
import jax.numpy as jnp
from jax import lax
from jax.experimental import pallas as pl
from jax.experimental.pallas import tpu as pltpu
from jax.experimental.pallas import tpu_sc as plsc

D = 32
SEQ = 20
VPAD = 64
NBUF = 2
W = 8


@functools.lru_cache(maxsize=None)
def _make_sc_embed(R: int):
    info = plsc.get_sparse_core_info()
    NC, NS, L = info.num_cores, info.num_subcores, info.num_lanes
    NW = NC * NS
    rows_w = R // NW
    n_bhi = rows_w // 128
    n_grp = rows_w // L
    mesh = plsc.VectorSubcoreMesh(core_axis_name="c", subcore_axis_name="s")

    @functools.partial(
        pl.kernel,
        mesh=mesh,
        out_type=jax.ShapeDtypeStruct((SEQ, D // 8, R // 128, 8, 128), jnp.float32),
        scratch_types=[
            pltpu.VMEM((D * VPAD * L,), jnp.float32),
            pltpu.VMEM((SEQ, rows_w), jnp.int32),
            pltpu.VMEM((NBUF, D // 8, n_bhi, 8, 128), jnp.float32),
            pltpu.SemaphoreType.DMA((NBUF,)),
        ],
        compiler_params=pltpu.CompilerParams(
            use_tc_tiling_on_sc=False, needs_layout_passes=False
        ),
    )
    def sc_embed(idx_hbm, tab_hbm, out_hbm, tab_v, idx_v, buf, ssem):
        wid = lax.axis_index("s") * NC + lax.axis_index("c")

        pltpu.sync_copy(tab_hbm, tab_v)
        pltpu.sync_copy(idx_hbm.at[:, pl.ds(wid * rows_w, rows_w)], idx_v)

        def drain(bs):
            for c_hi in range(D // 8):
                pltpu.make_async_copy(
                    out_hbm.at[0, c_hi, pl.ds(wid * n_bhi, n_bhi)],
                    buf.at[bs, c_hi],
                    ssem.at[bs],
                ).wait()

        def s_body(s, carry):
            bs = s % NBUF

            @pl.when(s >= NBUF)
            def _():
                drain(bs)

            def load_idx16(g):
                return idx_v[s, pl.ds(g * L, L)] * L + lax.iota(jnp.int32, L)

            def gather(c, idx16):
                return plsc.load_gather(
                    tab_v.at[pl.ds(c * (VPAD * L), VPAD * L)], [idx16]
                )

            def store(c, g_hi, g_lo16, val):
                buf[bs, c // 8, g_hi, c % 8, pl.ds(g_lo16, L)] = val

            NWAVE = D // W

            def body(g, prev):
                pg = g - 1
                pg_hi, pg_lo16 = pg // 8, (pg % 8) * L
                g_hi, g_lo16 = g // 8, (g % 8) * L
                idx16 = load_idx16(g)
                for k in range(NWAVE):
                    cur = []
                    for j in range(W):
                        cur.append(gather(k * W + j, idx16))
                        if k == 0:
                            store(D - W + j, pg_hi, pg_lo16, prev[j])
                        else:
                            store((k - 1) * W + j, g_hi, g_lo16, prev[j])
                    prev = tuple(cur)
                return prev

            idx16 = load_idx16(0)
            prev = None
            for k in range(NWAVE):
                cur = []
                for j in range(W):
                    cur.append(gather(k * W + j, idx16))
                    if prev is not None:
                        store((k - 1) * W + j, 0, 0, prev[j])
                prev = tuple(cur)
            prev = lax.fori_loop(1, n_grp, body, prev)
            lg = n_grp - 1
            for j in range(W):
                store(D - W + j, lg // 8, (lg % 8) * L, prev[j])
            for c_hi in range(D // 8):
                pltpu.async_copy(
                    buf.at[bs, c_hi],
                    out_hbm.at[s, c_hi, pl.ds(wid * n_bhi, n_bhi)],
                    ssem.at[bs],
                )
            return carry

        lax.fori_loop(0, SEQ, s_body, 0)
        drain(SEQ % NBUF)
        drain((SEQ + 1) % NBUF)

    return sc_embed


def kernel(cards, table):
    R, S = cards.shape
    info = plsc.get_sparse_core_info()
    NW = info.num_cores * info.num_subcores
    idx = cards.astype(jnp.int32).T
    tab_t = jnp.pad(table.T, ((0, 0), (0, VPAD - table.shape[0])))
    tab_r = jnp.broadcast_to(tab_t.reshape(D * VPAD, 1), (D * VPAD, 16))
    phys = _make_sc_embed(R)(idx, tab_r.reshape(D * VPAD * 16))
    return phys.transpose(2, 4, 0, 1, 3).reshape(R, S, D)

# --- scband reference (transcript-rebuilt; emitter-appended) ---
"""Pipeline reference for scband-card-embedding-14087492731629 (READ-ONLY COPY).

The authoritative reference and input builder live on the scoring server;
editing this copy changes nothing except your own understanding.
"""

import jax, jax.numpy as jnp
import numpy as np

EMBEDDING_DIM = 32
NUM_CARDS_VOCAB = 52

def setup_inputs(seed: int = 0) -> dict:
    key = jax.random.key(seed)
    k_idx, k_tab = jax.random.split(key)
    cards = jax.random.randint(k_idx, (16384, 20), 0, NUM_CARDS_VOCAB, dtype=jnp.int64 if jax.config.jax_enable_x64 else jnp.int32)
    table = jax.random.normal(k_tab, (NUM_CARDS_VOCAB, EMBEDDING_DIM), dtype=jnp.float32)
    return {"cards": cards, "table": table}

def reference(cards, table):
    # nn.Embedding forward: gather rows of the embedding table
    return jnp.take(table, cards, axis=0)

if __name__ == "__main__":
    import jax
    _d = setup_inputs()
    print(jax.jit(kernel)(*tuple(_d.values())))

</pallas_src>

<mosaic_0001>
#map = affine_map<(d0, d1) -> (0, 0)>
#map1 = affine_map<(d0, d1) -> (0)>
#map2 = affine_map<(d0, d1) -> (0, 0, 0, 0, 0)>
module attributes {stable_mosaic.version = 14 : i64} {
  func.func @sc_embed(%arg0: i32, %arg1: i32, %arg2: memref<20x16384xi32, #tpu.memory_space<hbm>>, %arg3: memref<32768xf32, #tpu.memory_space<hbm>>, %arg4: memref<20x4x128x8x128xf32, #tpu.memory_space<hbm>>, %arg5: memref<32768xf32, #tpu.memory_space<vmem>>, %arg6: memref<20x512xi32, #tpu.memory_space<vmem>>, %arg7: memref<2x4x4x8x128xf32, #tpu.memory_space<vmem>>, %arg8: memref<2x!tpu.dma_semaphore, #tpu.memory_space<semaphore_mem>>) attributes {dimension_semantics = [#tpu.dimension_semantics<core_parallel>, #tpu.dimension_semantics<subcore_parallel>], iteration_bounds = array<i64: 2, 16>, scalar_prefetch = 0 : i64, scratch_operands = 4 : i64, tpu.core_type = #tpu.core_type<sc_vector_subcore>, window_params = [{transform_indices = #map}, {transform_indices = #map1}, {transform_indices = #map2}]} {
    %mul3A = arith.constant 2 : i32
    %mul3A_0 = arith.muli %arg1, %mul3A : i32
    %add3A = arith.addi %mul3A_0, %arg0 : i32
    "tpu.region"() ({
      %run_scoped3A = tpu.sem_alloc : memref<!tpu.dma_semaphore, #tpu.memory_space<semaphore_mem>>
      tpu.enqueue_dma source(%arg3 : memref<32768xf32, #tpu.memory_space<hbm>>) target(%arg5 : memref<32768xf32, #tpu.memory_space<vmem>>) target_semaphore(%run_scoped3A : memref<!tpu.dma_semaphore, #tpu.memory_space<semaphore_mem>>)
      tpu.wait_dma2 semaphore(%run_scoped3A : memref<!tpu.dma_semaphore, #tpu.memory_space<semaphore_mem>>) src(%arg3 : memref<32768xf32, #tpu.memory_space<hbm>>) dst(%arg5 : memref<32768xf32, #tpu.memory_space<vmem>>)
      tpu.yield
    }) : () -> ()
    %mul3A_1 = arith.constant 512 : i32
    %mul3A_2 = arith.muli %add3A, %mul3A_1 : i32
    "tpu.region"() ({
      %run_scoped3A = tpu.sem_alloc : memref<!tpu.dma_semaphore, #tpu.memory_space<semaphore_mem>>
      %dma_start3A = arith.constant 0 : i32
      %dma_start3A_223 = tpu.memref_slice %arg2[%dma_start3A, %mul3A_2] : memref<20x16384xi32, #tpu.memory_space<hbm>> -> memref<20x512xi32, #tpu.memory_space<hbm>>
      %dma_start3A_224 = arith.constant 0 : i32
      %dma_start3A_225 = tpu.memref_slice %arg2[%dma_start3A_224, %mul3A_2] : memref<20x16384xi32, #tpu.memory_space<hbm>> -> memref<20x512xi32, #tpu.memory_space<hbm>>
      tpu.enqueue_dma source(%dma_start3A_225 : memref<20x512xi32, #tpu.memory_space<hbm>>) target(%arg6 : memref<20x512xi32, #tpu.memory_space<vmem>>) target_semaphore(%run_scoped3A : memref<!tpu.dma_semaphore, #tpu.memory_space<semaphore_mem>>)
      %dma_wait3A_226 = arith.constant 0 : i32
      %dma_wait3A_227 = tpu.memref_slice %arg2[%dma_wait3A_226, %mul3A_2] : memref<20x16384xi32, #tpu.memory_space<hbm>> -> memref<20x512xi32, #tpu.memory_space<hbm>>
      %dma_wait3A_228 = arith.constant 0 : i32
      %dma_wait3A_229 = tpu.memref_slice %arg2[%dma_wait3A_228, %mul3A_2] : memref<20x16384xi32, #tpu.memory_space<hbm>> -> memref<20x512xi32, #tpu.memory_space<hbm>>
      tpu.wait_dma2 semaphore(%run_scoped3A : memref<!tpu.dma_semaphore, #tpu.memory_space<semaphore_mem>>) src(%dma_wait3A_229 : memref<20x512xi32, #tpu.memory_space<hbm>>) dst(%arg6 : memref<20x512xi32, #tpu.memory_space<vmem>>)
      tpu.yield
    }) : () -> ()
    %scan3A = arith.constant 0 : i32
    %scan3A_3 = arith.constant 0 : i32
    %scan3A_4 = arith.constant 20 : i32
    %scan3A_5 = arith.addi %scan3A_3, %scan3A_4 : i32
    %scan3A_6 = arith.constant 1 : i32
    scf.for %scan3A_223 = %scan3A_3 to %scan3A_5 step %scan3A_6  : i32 {
      %jit3A = arith.constant 2 : i32
      %eq3A = arith.constant 0 : i32
      %eq3A_224 = arith.cmpi eq, %jit3A, %eq3A : i32
      %jit3A_225 = arith.constant 1 : i32
      %select_n3A = arith.select %eq3A_224, %jit3A_225, %jit3A : i32
      %rem3A = arith.remsi %scan3A_223, %select_n3A : i32
      %ne3A = arith.constant 0 : i32
      %ne3A_226 = arith.cmpi ne, %rem3A, %ne3A : i32
      %lt3A = arith.constant 0 : i32
      %lt3A_227 = arith.cmpi slt, %rem3A, %lt3A : i32
      %lt3A_228 = arith.constant 0 : i32
      %lt3A_229 = arith.cmpi slt, %select_n3A, %lt3A_228 : i32
      %ne3A_230 = arith.xori %lt3A_227, %lt3A_229 : i1
      %and3A = arith.andi %ne3A_230, %ne3A_226 : i1
      %add3A_231 = arith.addi %rem3A, %select_n3A : i32
      %select_n3A_232 = arith.select %and3A, %add3A_231, %rem3A : i32
      %ge3A = arith.constant 2 : i32
      %ge3A_233 = arith.cmpi sge, %scan3A_223, %ge3A : i32
      %convert_element_type3A = arith.extui %ge3A_233 : i1 to i32
      %cond3A = arith.constant 0 : i32
      %cond3A_234 = arith.cmpi ne, %convert_element_type3A, %cond3A : i32
      scf.if %cond3A_234 {
        %mul3A_724 = arith.constant 4 : i32
        %mul3A_725 = arith.muli %add3A, %mul3A_724 : i32
        %dma_wait3A_726 = arith.constant 0 : i32
        %dma_wait3A_727 = arith.constant 0 : i32
        %dma_wait3A_728 = arith.constant 0 : i32
        %dma_wait3A_729 = arith.constant 0 : i32
        %dma_wait3A_730 = arith.constant 0 : i32
        %dma_wait3A_731 = arith.constant 0 : i32
        %dma_wait3A_732 = tpu.memref_slice %arg7[%select_n3A_232, %dma_wait3A_728, %dma_wait3A_729, %dma_wait3A_730, %dma_wait3A_731] : memref<2x4x4x8x128xf32, #tpu.memory_space<vmem>> -> memref<1x1x4x8x128xf32, #tpu.memory_space<vmem>>
        %dma_wait3A_733 = tpu.memref_squeeze %dma_wait3A_732 : memref<1x1x4x8x128xf32, #tpu.memory_space<vmem>> -> memref<4x8x128xf32, #tpu.memory_space<vmem>>
        %dma_wait3A_734 = arith.constant 0 : i32
        %dma_wait3A_735 = arith.constant 0 : i32
        %dma_wait3A_736 = tpu.memref_slice %arg4[%dma_wait3A_726, %dma_wait3A_727, %mul3A_725, %dma_wait3A_734, %dma_wait3A_735] : memref<20x4x128x8x128xf32, #tpu.memory_space<hbm>> -> memref<1x1x4x8x128xf32, #tpu.memory_space<hbm>>
        %dma_wait3A_737 = tpu.memref_squeeze %dma_wait3A_736 : memref<1x1x4x8x128xf32, #tpu.memory_space<hbm>> -> memref<4x8x128xf32, #tpu.memory_space<hbm>>
        %dma_wait3A_738 = tpu.memref_slice %arg8[%select_n3A_232] : memref<2x!tpu.dma_semaphore, #tpu.memory_space<semaphore_mem>> -> memref<1x!tpu.dma_semaphore, #tpu.memory_space<semaphore_mem>>
        %dma_wait3A_739 = tpu.memref_squeeze %dma_wait3A_738 : memref<1x!tpu.dma_semaphore, #tpu.memory_space<semaphore_mem>> -> memref<!tpu.dma_semaphore, #tpu.memory_space<semaphore_mem>>
        %dma_wait3A_740 = arith.constant 0 : i32
        %dma_wait3A_741 = arith.constant 0 : i32
        %dma_wait3A_742 = arith.constant 0 : i32
        %dma_wait3A_743 = tpu.memref_slice %arg7[%select_n3A_232, %dma_wait3A_728, %dma_wait3A_740, %dma_wait3A_741, %dma_wait3A_742] : memref<2x4x4x8x128xf32, #tpu.memory_space<vmem>> -> memref<1x1x4x8x128xf32, #tpu.memory_space<vmem>>
        %dma_wait3A_744 = tpu.memref_squeeze %dma_wait3A_743 : memref<1x1x4x8x128xf32, #tpu.memory_space<vmem>> -> memref<4x8x128xf32, #tpu.memory_space<vmem>>
        %dma_wait3A_745 = arith.constant 0 : i32
        %dma_wait3A_746 = arith.constant 0 : i32
        %dma_wait3A_747 = tpu.memref_slice %arg4[%dma_wait3A_726, %dma_wait3A_727, %mul3A_725, %dma_wait3A_745, %dma_wait3A_746] : memref<20x4x128x8x128xf32, #tpu.memory_space<hbm>> -> memref<1x1x4x8x128xf32, #tpu.memory_space<hbm>>
        %dma_wait3A_748 = tpu.memref_squeeze %dma_wait3A_747 : memref<1x1x4x8x128xf32, #tpu.memory_space<hbm>> -> memref<4x8x128xf32, #tpu.memory_space<hbm>>
        tpu.wait_dma2 semaphore(%dma_wait3A_739 : memref<!tpu.dma_semaphore, #tpu.memory_space<semaphore_mem>>) src(%dma_wait3A_748 : memref<4x8x128xf32, #tpu.memory_space<hbm>>) dst(%dma_wait3A_744 : memref<4x8x128xf32, #tpu.memory_space<vmem>>)
        %mul3A_749 = arith.constant 4 : i32
        %mul3A_750 = arith.muli %add3A, %mul3A_749 : i32
        %dma_wait3A_751 = arith.constant 0 : i32
        %dma_wait3A_752 = arith.constant 1 : i32
        %dma_wait3A_753 = arith.constant 1 : i32
        %dma_wait3A_754 = arith.constant 0 : i32
        %dma_wait3A_755 = arith.constant 0 : i32
        %dma_wait3A_756 = arith.constant 0 : i32
        %dma_wait3A_757 = tpu.memref_slice %arg7[%select_n3A_232, %dma_wait3A_753, %dma_wait3A_754, %dma_wait3A_755, %dma_wait3A_756] : memref<2x4x4x8x128xf32, #tpu.memory_space<vmem>> -> memref<1x1x4x8x128xf32, #tpu.memory_space<vmem>>
        %dma_wait3A_758 = tpu.memref_squeeze %dma_wait3A_757 : memref<1x1x4x8x128xf32, #tpu.memory_space<vmem>> -> memref<4x8x128xf32, #tpu.memory_space<vmem>>
        %dma_wait3A_759 = arith.constant 0 : i32
        %dma_wait3A_760 = arith.constant 0 : i32
        %dma_wait3A_761 = tpu.memref_slice %arg4[%dma_wait3A_751, %dma_wait3A_752, %mul3A_750, %dma_wait3A_759, %dma_wait3A_760] : memref<20x4x128x8x128xf32, #tpu.memory_space<hbm>> -> memref<1x1x4x8x128xf32, #tpu.memory_space<hbm>>
        %dma_wait3A_762 = tpu.memref_squeeze %dma_wait3A_761 : memref<1x1x4x8x128xf32, #tpu.memory_space<hbm>> -> memref<4x8x128xf32, #tpu.memory_space<hbm>>
        %dma_wait3A_763 = tpu.memref_slice %arg8[%select_n3A_232] : memref<2x!tpu.dma_semaphore, #tpu.memory_space<semaphore_mem>> -> memref<1x!tpu.dma_semaphore, #tpu.memory_space<semaphore_mem>>
        %dma_wait3A_764 = tpu.memref_squeeze %dma_wait3A_763 : memref<1x!tpu.dma_semaphore, #tpu.memory_space<semaphore_mem>> -> memref<!tpu.dma_semaphore, #tpu.memory_space<semaphore_mem>>
        %dma_wait3A_765 = arith.constant 0 : i32
        %dma_wait3A_766 = arith.constant 0 : i32
        %dma_wait3A_767 = arith.constant 0 : i32
        %dma_wait3A_768 = tpu.memref_slice %arg7[%select_n3A_232, %dma_wait3A_753, %dma_wait3A_765, %dma_wait3A_766, %dma_wait3A_767] : memref<2x4x4x8x128xf32, #tpu.memory_space<vmem>> -> memref<1x1x4x8x128xf32, #tpu.memory_space<vmem>>
        %dma_wait3A_769 = tpu.memref_squeeze %dma_wait3A_768 : memref<1x1x4x8x128xf32, #tpu.memory_space<vmem>> -> memref<4x8x128xf32, #tpu.memory_space<vmem>>
        %dma_wait3A_770 = arith.constant 0 : i32
        %dma_wait3A_771 = arith.constant 0 : i32
        %dma_wait3A_772 = tpu.memref_slice %arg4[%dma_wait3A_751, %dma_wait3A_752, %mul3A_750, %dma_wait3A_770, %dma_wait3A_771] : memref<20x4x128x8x128xf32, #tpu.memory_space<hbm>> -> memref<1x1x4x8x128xf32, #tpu.memory_space<hbm>>
        %dma_wait3A_773 = tpu.memref_squeeze %dma_wait3A_772 : memref<1x1x4x8x128xf32, #tpu.memory_space<hbm>> -> memref<4x8x128xf32, #tpu.memory_space<hbm>>
        tpu.wait_dma2 semaphore(%dma_wait3A_764 : memref<!tpu.dma_semaphore, #tpu.memory_space<semaphore_mem>>) src(%dma_wait3A_773 : memref<4x8x128xf32, #tpu.memory_space<hbm>>) dst(%dma_wait3A_769 : memref<4x8x128xf32, #tpu.memory_space<vmem>>)
        %mul3A_774 = arith.constant 4 : i32
        %mul3A_775 = arith.muli %add3A, %mul3A_774 : i32
        %dma_wait3A_776 = arith.constant 0 : i32
        %dma_wait3A_777 = arith.constant 2 : i32
        %dma_wait3A_778 = arith.constant 2 : i32
        %dma_wait3A_779 = arith.constant 0 : i32
        %dma_wait3A_780 = arith.constant 0 : i32
        %dma_wait3A_781 = arith.constant 0 : i32
        %dma_wait3A_782 = tpu.memref_slice %arg7[%select_n3A_232, %dma_wait3A_778, %dma_wait3A_779, %dma_wait3A_780, %dma_wait3A_781] : memref<2x4x4x8x128xf32, #tpu.memory_space<vmem>> -> memref<1x1x4x8x128xf32, #tpu.memory_space<vmem>>
        %dma_wait3A_783 = tpu.memref_squeeze %dma_wait3A_782 : memref<1x1x4x8x128xf32, #tpu.memory_space<vmem>> -> memref<4x8x128xf32, #tpu.memory_space<vmem>>
        %dma_wait3A_784 = arith.constant 0 : i32
        %dma_wait3A_785 = arith.constant 0 : i32
        %dma_wait3A_786 = tpu.memref_slice %arg4[%dma_wait3A_776, %dma_wait3A_777, %mul3A_775, %dma_wait3A_784, %dma_wait3A_785] : memref<20x4x128x8x128xf32, #tpu.memory_space<hbm>> -> memref<1x1x4x8x128xf32, #tpu.memory_space<hbm>>
        %dma_wait3A_787 = tpu.memref_squeeze %dma_wait3A_786 : memref<1x1x4x8x128xf32, #tpu.memory_space<hbm>> -> memref<4x8x128xf32, #tpu.memory_space<hbm>>
        %dma_wait3A_788 = tpu.memref_slice %arg8[%select_n3A_232] : memref<2x!tpu.dma_semaphore, #tpu.memory_space<semaphore_mem>> -> memref<1x!tpu.dma_semaphore, #tpu.memory_space<semaphore_mem>>
        %dma_wait3A_789 = tpu.memref_squeeze %dma_wait3A_788 : memref<1x!tpu.dma_semaphore, #tpu.memory_space<semaphore_mem>> -> memref<!tpu.dma_semaphore, #tpu.memory_space<semaphore_mem>>
        %dma_wait3A_790 = arith.constant 0 : i32
        %dma_wait3A_791 = arith.constant 0 : i32
        %dma_wait3A_792 = arith.constant 0 : i32
        %dma_wait3A_793 = tpu.memref_slice %arg7[%select_n3A_232, %dma_wait3A_778, %dma_wait3A_790, %dma_wait3A_791, %dma_wait3A_792] : memref<2x4x4x8x128xf32, #tpu.memory_space<vmem>> -> memref<1x1x4x8x128xf32, #tpu.memory_space<vmem>>
        %dma_wait3A_794 = tpu.memref_squeeze %dma_wait3A_793 : memref<1x1x4x8x128xf32, #tpu.memory_space<vmem>> -> memref<4x8x128xf32, #tpu.memory_space<vmem>>
        %dma_wait3A_795 = arith.constant 0 : i32
        %dma_wait3A_796 = arith.constant 0 : i32
        %dma_wait3A_797 = tpu.memref_slice %arg4[%dma_wait3A_776, %dma_wait3A_777, %mul3A_775, %dma_wait3A_795, %dma_wait3A_796] : memref<20x4x128x8x128xf32, #tpu.memory_space<hbm>> -> memref<1x1x4x8x128xf32, #tpu.memory_space<hbm>>
        %dma_wait3A_798 = tpu.memref_squeeze %dma_wait3A_797 : memref<1x1x4x8x128xf32, #tpu.memory_space<hbm>> -> memref<4x8x128xf32, #tpu.memory_space<hbm>>
        tpu.wait_dma2 semaphore(%dma_wait3A_789 : memref<!tpu.dma_semaphore, #tpu.memory_space<semaphore_mem>>) src(%dma_wait3A_798 : memref<4x8x128xf32, #tpu.memory_space<hbm>>) dst(%dma_wait3A_794 : memref<4x8x128xf32, #tpu.memory_space<vmem>>)
        %mul3A_799 = arith.constant 4 : i32
        %mul3A_800 = arith.muli %add3A, %mul3A_799 : i32
        %dma_wait3A_801 = arith.constant 0 : i32
        %dma_wait3A_802 = arith.constant 3 : i32
        %dma_wait3A_803 = arith.constant 3 : i32
        %dma_wait3A_804 = arith.constant 0 : i32
        %dma_wait3A_805 = arith.constant 0 : i32
        %dma_wait3A_806 = arith.constant 0 : i32
        %dma_wait3A_807 = tpu.memref_slice %arg7[%select_n3A_232, %dma_wait3A_803, %dma_wait3A_804, %dma_wait3A_805, %dma_wait3A_806] : memref<2x4x4x8x128xf32, #tpu.memory_space<vmem>> -> memref<1x1x4x8x128xf32, #tpu.memory_space<vmem>>
        %dma_wait3A_808 = tpu.memref_squeeze %dma_wait3A_807 : memref<1x1x4x8x128xf32, #tpu.memory_space<vmem>> -> memref<4x8x128xf32, #tpu.memory_space<vmem>>
        %dma_wait3A_809 = arith.constant 0 : i32
        %dma_wait3A_810 = arith.constant 0 : i32
        %dma_wait3A_811 = tpu.memref_slice %arg4[%dma_wait3A_801, %dma_wait3A_802, %mul3A_800, %dma_wait3A_809, %dma_wait3A_810] : memref<20x4x128x8x128xf32, #tpu.memory_space<hbm>> -> memref<1x1x4x8x128xf32, #tpu.memory_space<hbm>>
        %dma_wait3A_812 = tpu.memref_squeeze %dma_wait3A_811 : memref<1x1x4x8x128xf32, #tpu.memory_space<hbm>> -> memref<4x8x128xf32, #tpu.memory_space<hbm>>
        %dma_wait3A_813 = tpu.memref_slice %arg8[%select_n3A_232] : memref<2x!tpu.dma_semaphore, #tpu.memory_space<semaphore_mem>> -> memref<1x!tpu.dma_semaphore, #tpu.memory_space<semaphore_mem>>
        %dma_wait3A_814 = tpu.memref_squeeze %dma_wait3A_813 : memref<1x!tpu.dma_semaphore, #tpu.memory_space<semaphore_mem>> -> memref<!tpu.dma_semaphore, #tpu.memory_space<semaphore_mem>>
        %dma_wait3A_815 = arith.constant 0 : i32
        %dma_wait3A_816 = arith.constant 0 : i32
        %dma_wait3A_817 = arith.constant 0 : i32
        %dma_wait3A_818 = tpu.memref_slice %arg7[%select_n3A_232, %dma_wait3A_803, %dma_wait3A_815, %dma_wait3A_816, %dma_wait3A_817] : memref<2x4x4x8x128xf32, #tpu.memory_space<vmem>> -> memref<1x1x4x8x128xf32, #tpu.memory_space<vmem>>
        %dma_wait3A_819 = tpu.memref_squeeze %dma_wait3A_818 : memref<1x1x4x8x128xf32, #tpu.memory_space<vmem>> -> memref<4x8x128xf32, #tpu.memory_space<vmem>>
        %dma_wait3A_820 = arith.constant 0 : i32
        %dma_wait3A_821 = arith.constant 0 : i32
        %dma_wait3A_822 = tpu.memref_slice %arg4[%dma_wait3A_801, %dma_wait3A_802, %mul3A_800, %dma_wait3A_820, %dma_wait3A_821] : memref<20x4x128x8x128xf32, #tpu.memory_space<hbm>> -> memref<1x1x4x8x128xf32, #tpu.memory_space<hbm>>
        %dma_wait3A_823 = tpu.memref_squeeze %dma_wait3A_822 : memref<1x1x4x8x128xf32, #tpu.memory_space<hbm>> -> memref<4x8x128xf32, #tpu.memory_space<hbm>>
        tpu.wait_dma2 semaphore(%dma_wait3A_814 : memref<!tpu.dma_semaphore, #tpu.memory_space<semaphore_mem>>) src(%dma_wait3A_823 : memref<4x8x128xf32, #tpu.memory_space<hbm>>) dst(%dma_wait3A_819 : memref<4x8x128xf32, #tpu.memory_space<vmem>>)
      } else {
      }
      %get3A = arith.index_cast %scan3A_223 : i32 to index
      %get3A_235 = arith.constant 0 : index
      %get3A_236 = tpu.vector_load %arg6[%get3A, %get3A_235] {strides = array<i32>} : memref<20x512xi32, #tpu.memory_space<vmem>>, vector<16xi32>,
      %mul3A_237 = arith.constant 16 : i32
      %mul3A_238 = vector.broadcast %mul3A_237 : i32 to vector<16xi32>
      %mul3A_239 = arith.muli %get3A_236, %mul3A_238 : vector<16xi32>
      %iota3A = tpu.iota {dimensions = array<i32: 0>} : vector<16xi32>
      %add3A_240 = arith.addi %mul3A_239, %iota3A : vector<16xi32>
      %gather3A = arith.constant 0 : i32
      %gather3A_241 = tpu.memref_slice %arg5[%gather3A] : memref<32768xf32, #tpu.memory_space<vmem>> -> memref<1024xf32, #tpu.memory_space<vmem>>
      %gather3A_242 = tpu.vector_load_idx %gather3A_241[%add3A_240] : memref<1024xf32, #tpu.memory_space<vmem>>[vector<16xi32>], vector<16xf32>,
      %gather3A_243 = arith.constant 1024 : i32
      %gather3A_244 = tpu.memref_slice %arg5[%gather3A_243] : memref<32768xf32, #tpu.memory_space<vmem>> -> memref<1024xf32, #tpu.memory_space<vmem>>
      %gather3A_245 = tpu.vector_load_idx %gather3A_244[%add3A_240] : memref<1024xf32, #tpu.memory_space<vmem>>[vector<16xi32>], vector<16xf32>,
      %gather3A_246 = arith.constant 2048 : i32
      %gather3A_247 = tpu.memref_slice %arg5[%gather3A_246] : memref<32768xf32, #tpu.memory_space<vmem>> -> memref<1024xf32, #tpu.memory_space<vmem>>
      %gather3A_248 = tpu.vector_load_idx %gather3A_247[%add3A_240] : memref<1024xf32, #tpu.memory_space<vmem>>[vector<16xi32>], vector<16xf32>,
      %gather3A_249 = arith.constant 3072 : i32
      %gather3A_250 = tpu.memref_slice %arg5[%gather3A_249] : memref<32768xf32, #tpu.memory_space<vmem>> -> memref<1024xf32, #tpu.memory_space<vmem>>
      %gather3A_251 = tpu.vector_load_idx %gather3A_250[%add3A_240] : memref<1024xf32, #tpu.memory_space<vmem>>[vector<16xi32>], vector<16xf32>,
      %gather3A_252 = arith.constant 4096 : i32
      %gather3A_253 = tpu.memref_slice %arg5[%gather3A_252] : memref<32768xf32, #tpu.memory_space<vmem>> -> memref<1024xf32, #tpu.memory_space<vmem>>
      %gather3A_254 = tpu.vector_load_idx %gather3A_253[%add3A_240] : memref<1024xf32, #tpu.memory_space<vmem>>[vector<16xi32>], vector<16xf32>,
      %gather3A_255 = arith.constant 5120 : i32
      %gather3A_256 = tpu.memref_slice %arg5[%gather3A_255] : memref<32768xf32, #tpu.memory_space<vmem>> -> memref<1024xf32, #tpu.memory_space<vmem>>
      %gather3A_257 = tpu.vector_load_idx %gather3A_256[%add3A_240] : memref<1024xf32, #tpu.memory_space<vmem>>[vector<16xi32>], vector<16xf32>,
      %gather3A_258 = arith.constant 6144 : i32
      %gather3A_259 = tpu.memref_slice %arg5[%gather3A_258] : memref<32768xf32, #tpu.memory_space<vmem>> -> memref<1024xf32, #tpu.memory_space<vmem>>
      %gather3A_260 = tpu.vector_load_idx %gather3A_259[%add3A_240] : memref<1024xf32, #tpu.memory_space<vmem>>[vector<16xi32>], vector<16xf32>,
      %gather3A_261 = arith.constant 7168 : i32
      %gather3A_262 = tpu.memref_slice %arg5[%gather3A_261] : memref<32768xf32, #tpu.memory_space<vmem>> -> memref<1024xf32, #tpu.memory_space<vmem>>
      %gather3A_263 = tpu.vector_load_idx %gather3A_262[%add3A_240] : memref<1024xf32, #tpu.memory_space<vmem>>[vector<16xi32>], vector<16xf32>,
      %gather3A_264 = arith.constant 8192 : i32
      %gather3A_265 = tpu.memref_slice %arg5[%gather3A_264] : memref<32768xf32, #tpu.memory_space<vmem>> -> memref<1024xf32, #tpu.memory_space<vmem>>
      %gather3A_266 = tpu.vector_load_idx %gather3A_265[%add3A_240] : memref<1024xf32, #tpu.memory_space<vmem>>[vector<16xi32>], vector<16xf32>,
      %swap3A = arith.constant 0 : i32
      %swap3A_267 = arith.constant 0 : i32
      %swap3A_268 = arith.constant 0 : i32
      %swap3A_269 = arith.index_cast %select_n3A_232 : i32 to index
      %swap3A_270 = arith.index_cast %swap3A : i32 to index
      %swap3A_271 = arith.index_cast %swap3A_267 : i32 to index
      %swap3A_272 = arith.index_cast %swap3A_268 : i32 to index
      %swap3A_273 = arith.constant 0 : index
      %swap3A_274 = tpu.vector_load %arg7[%swap3A_269, %swap3A_270, %swap3A_271, %swap3A_272, %swap3A_273] {strides = array<i32>} : memref<2x4x4x8x128xf32, #tpu.memory_space<vmem>>, vector<16xf32>,
      tpu.vector_store %arg7[%swap3A_269, %swap3A_270, %swap3A_271, %swap3A_272, %swap3A_273], %gather3A_242 {strides = array<i32>} : memref<2x4x4x8x128xf32, #tpu.memory_space<vmem>>, vector<16xf32>,
      %gather3A_275 = arith.constant 9216 : i32
      %gather3A_276 = tpu.memref_slice %arg5[%gather3A_275] : memref<32768xf32, #tpu.memory_space<vmem>> -> memref<1024xf32, #tpu.memory_space<vmem>>
      %gather3A_277 = tpu.vector_load_idx %gather3A_276[%add3A_240] : memref<1024xf32, #tpu.memory_space<vmem>>[vector<16xi32>], vector<16xf32>,
      %swap3A_278 = arith.constant 0 : i32
      %swap3A_279 = arith.constant 0 : i32
      %swap3A_280 = arith.constant 1 : i32
      %swap3A_281 = arith.index_cast %select_n3A_232 : i32 to index
      %swap3A_282 = arith.index_cast %swap3A_278 : i32 to index
      %swap3A_283 = arith.index_cast %swap3A_279 : i32 to index
      %swap3A_284 = arith.index_cast %swap3A_280 : i32 to index
      %swap3A_285 = arith.constant 0 : index
      %swap3A_286 = tpu.vector_load %arg7[%swap3A_281, %swap3A_282, %swap3A_283, %swap3A_284, %swap3A_285] {strides = array<i32>} : memref<2x4x4x8x128xf32, #tpu.memory_space<vmem>>, vector<16xf32>,
      tpu.vector_store %arg7[%swap3A_281, %swap3A_282, %swap3A_283, %swap3A_284, %swap3A_285], %gather3A_245 {strides = array<i32>} : memref<2x4x4x8x128xf32, #tpu.memory_space<vmem>>, vector<16xf32>,
      %gather3A_287 = arith.constant 10240 : i32
      %gather3A_288 = tpu.memref_slice %arg5[%gather3A_287] : memref<32768xf32, #tpu.memory_space<vmem>> -> memref<1024xf32, #tpu.memory_space<vmem>>
      %gather3A_289 = tpu.vector_load_idx %gather3A_288[%add3A_240] : memref<1024xf32, #tpu.memory_space<vmem>>[vector<16xi32>], vector<16xf32>,
      %swap3A_290 = arith.constant 0 : i32
      %swap3A_291 = arith.constant 0 : i32
      %swap3A_292 = arith.constant 2 : i32
      %swap3A_293 = arith.index_cast %select_n3A_232 : i32 to index
      %swap3A_294 = arith.index_cast %swap3A_290 : i32 to index
      %swap3A_295 = arith.index_cast %swap3A_291 : i32 to index
      %swap3A_296 = arith.index_cast %swap3A_292 : i32 to index
      %swap3A_297 = arith.constant 0 : index
      %swap3A_298 = tpu.vector_load %arg7[%swap3A_293, %swap3A_294, %swap3A_295, %swap3A_296, %swap3A_297] {strides = array<i32>} : memref<2x4x4x8x128xf32, #tpu.memory_space<vmem>>, vector<16xf32>,
      tpu.vector_store %arg7[%swap3A_293, %swap3A_294, %swap3A_295, %swap3A_296, %swap3A_297], %gather3A_248 {strides = array<i32>} : memref<2x4x4x8x128xf32, #tpu.memory_space<vmem>>, vector<16xf32>,
      %gather3A_299 = arith.constant 11264 : i32
      %gather3A_300 = tpu.memref_slice %arg5[%gather3A_299] : memref<32768xf32, #tpu.memory_space<vmem>> -> memref<1024xf32, #tpu.memory_space<vmem>>
      %gather3A_301 = tpu.vector_load_idx %gather3A_300[%add3A_240] : memref<1024xf32, #tpu.memory_space<vmem>>[vector<16xi32>], vector<16xf32>,
      %swap3A_302 = arith.constant 0 : i32
      %swap3A_303 = arith.constant 0 : i32
      %swap3A_304 = arith.constant 3 : i32
      %swap3A_305 = arith.index_cast %select_n3A_232 : i32 to index
      %swap3A_306 = arith.index_cast %swap3A_302 : i32 to index
      %swap3A_307 = arith.index_cast %swap3A_303 : i32 to index
      %swap3A_308 = arith.index_cast %swap3A_304 : i32 to index
      %swap3A_309 = arith.constant 0 : index
      %swap3A_310 = tpu.vector_load %arg7[%swap3A_305, %swap3A_306, %swap3A_307, %swap3A_308, %swap3A_309] {strides = array<i32>} : memref<2x4x4x8x128xf32, #tpu.memory_space<vmem>>, vector<16xf32>,
      tpu.vector_store %arg7[%swap3A_305, %swap3A_306, %swap3A_307, %swap3A_308, %swap3A_309], %gather3A_251 {strides = array<i32>} : memref<2x4x4x8x128xf32, #tpu.memory_space<vmem>>, vector<16xf32>,
      %gather3A_311 = arith.constant 12288 : i32
      %gather3A_312 = tpu.memref_slice %arg5[%gather3A_311] : memref<32768xf32, #tpu.memory_space<vmem>> -> memref<1024xf32, #tpu.memory_space<vmem>>
      %gather3A_313 = tpu.vector_load_idx %gather3A_312[%add3A_240] : memref<1024xf32, #tpu.memory_space<vmem>>[vector<16xi32>], vector<16xf32>,
      %swap3A_314 = arith.constant 0 : i32
      %swap3A_315 = arith.constant 0 : i32
      %swap3A_316 = arith.constant 4 : i32
      %swap3A_317 = arith.index_cast %select_n3A_232 : i32 to index
      %swap3A_318 = arith.index_cast %swap3A_314 : i32 to index
      %swap3A_319 = arith.index_cast %swap3A_315 : i32 to index
      %swap3A_320 = arith.index_cast %swap3A_316 : i32 to index
      %swap3A_321 = arith.constant 0 : index
      %swap3A_322 = tpu.vector_load %arg7[%swap3A_317, %swap3A_318, %swap3A_319, %swap3A_320, %swap3A_321] {strides = array<i32>} : memref<2x4x4x8x128xf32, #tpu.memory_space<vmem>>, vector<16xf32>,
      tpu.vector_store %arg7[%swap3A_317, %swap3A_318, %swap3A_319, %swap3A_320, %swap3A_321], %gather3A_254 {strides = array<i32>} : memref<2x4x4x8x128xf32, #tpu.memory_space<vmem>>, vector<16xf32>,
      %gather3A_323 = arith.constant 13312 : i32
      %gather3A_324 = tpu.memref_slice %arg5[%gather3A_323] : memref<32768xf32, #tpu.memory_space<vmem>> -> memref<1024xf32, #tpu.memory_space<vmem>>
      %gather3A_325 = tpu.vector_load_idx %gather3A_324[%add3A_240] : memref<1024xf32, #tpu.memory_space<vmem>>[vector<16xi32>], vector<16xf32>,
      %swap3A_326 = arith.constant 0 : i32
      %swap3A_327 = arith.constant 0 : i32
      %swap3A_328 = arith.constant 5 : i32
      %swap3A_329 = arith.index_cast %select_n3A_232 : i32 to index
      %swap3A_330 = arith.index_cast %swap3A_326 : i32 to index
      %swap3A_331 = arith.index_cast %swap3A_327 : i32 to index
      %swap3A_332 = arith.index_cast %swap3A_328 : i32 to index
      %swap3A_333 = arith.constant 0 : index
      %swap3A_334 = tpu.vector_load %arg7[%swap3A_329, %swap3A_330, %swap3A_331, %swap3A_332, %swap3A_333] {strides = array<i32>} : memref<2x4x4x8x128xf32, #tpu.memory_space<vmem>>, vector<16xf32>,
      tpu.vector_store %arg7[%swap3A_329, %swap3A_330, %swap3A_331, %swap3A_332, %swap3A_333], %gather3A_257 {strides = array<i32>} : memref<2x4x4x8x128xf32, #tpu.memory_space<vmem>>, vector<16xf32>,
      %gather3A_335 = arith.constant 14336 : i32
      %gather3A_336 = tpu.memref_slice %arg5[%gather3A_335] : memref<32768xf32, #tpu.memory_space<vmem>> -> memref<1024xf32, #tpu.memory_space<vmem>>
      %gather3A_337 = tpu.vector_load_idx %gather3A_336[%add3A_240] : memref<1024xf32, #tpu.memory_space<vmem>>[vector<16xi32>], vector<16xf32>,
      %swap3A_338 = arith.constant 0 : i32
      %swap3A_339 = arith.constant 0 : i32
      %swap3A_340 = arith.constant 6 : i32
      %swap3A_341 = arith.index_cast %select_n3A_232 : i32 to index
      %swap3A_342 = arith.index_cast %swap3A_338 : i32 to index
      %swap3A_343 = arith.index_cast %swap3A_339 : i32 to index
      %swap3A_344 = arith.index_cast %swap3A_340 : i32 to index
      %swap3A_345 = arith.constant 0 : index
      %swap3A_346 = tpu.vector_load %arg7[%swap3A_341, %swap3A_342, %swap3A_343, %swap3A_344, %swap3A_345] {strides = array<i32>} : memref<2x4x4x8x128xf32, #tpu.memory_space<vmem>>, vector<16xf32>,
      tpu.vector_store %arg7[%swap3A_341, %swap3A_342, %swap3A_343, %swap3A_344, %swap3A_345], %gather3A_260 {strides = array<i32>} : memref<2x4x4x8x128xf32, #tpu.memory_space<vmem>>, vector<16xf32>,
      %gather3A_347 = arith.constant 15360 : i32
      %gather3A_348 = tpu.memref_slice %arg5[%gather3A_347] : memref<32768xf32, #tpu.memory_space<vmem>> -> memref<1024xf32, #tpu.memory_space<vmem>>
      %gather3A_349 = tpu.vector_load_idx %gather3A_348[%add3A_240] : memref<1024xf32, #tpu.memory_space<vmem>>[vector<16xi32>], vector<16xf32>,
      %swap3A_350 = arith.constant 0 : i32
      %swap3A_351 = arith.constant 0 : i32
      %swap3A_352 = arith.constant 7 : i32
      %swap3A_353 = arith.index_cast %select_n3A_232 : i32 to index
      %swap3A_354 = arith.index_cast %swap3A_350 : i32 to index
      %swap3A_355 = arith.index_cast %swap3A_351 : i32 to index
      %swap3A_356 = arith.index_cast %swap3A_352 : i32 to index
      %swap3A_357 = arith.constant 0 : index
      %swap3A_358 = tpu.vector_load %arg7[%swap3A_353, %swap3A_354, %swap3A_355, %swap3A_356, %swap3A_357] {strides = array<i32>} : memref<2x4x4x8x128xf32, #tpu.memory_space<vmem>>, vector<16xf32>,
      tpu.vector_store %arg7[%swap3A_353, %swap3A_354, %swap3A_355, %swap3A_356, %swap3A_357], %gather3A_263 {strides = array<i32>} : memref<2x4x4x8x128xf32, #tpu.memory_space<vmem>>, vector<16xf32>,
      %gather3A_359 = arith.constant 16384 : i32
      %gather3A_360 = tpu.memref_slice %arg5[%gather3A_359] : memref<32768xf32, #tpu.memory_space<vmem>> -> memref<1024xf32, #tpu.memory_space<vmem>>
      %gather3A_361 = tpu.vector_load_idx %gather3A_360[%add3A_240] : memref<1024xf32, #tpu.memory_space<vmem>>[vector<16xi32>], vector<16xf32>,
      %swap3A_362 = arith.constant 1 : i32
      %swap3A_363 = arith.constant 0 : i32
      %swap3A_364 = arith.constant 0 : i32
      %swap3A_365 = arith.index_cast %select_n3A_232 : i32 to index
      %swap3A_366 = arith.index_cast %swap3A_362 : i32 to index
      %swap3A_367 = arith.index_cast %swap3A_363 : i32 to index
      %swap3A_368 = arith.index_cast %swap3A_364 : i32 to index
      %swap3A_369 = arith.constant 0 : index
      %swap3A_370 = tpu.vector_load %arg7[%swap3A_365, %swap3A_366, %swap3A_367, %swap3A_368, %swap3A_369] {strides = array<i32>} : memref<2x4x4x8x128xf32, #tpu.memory_space<vmem>>, vector<16xf32>,
      tpu.vector_store %arg7[%swap3A_365, %swap3A_366, %swap3A_367, %swap3A_368, %swap3A_369], %gather3A_266 {strides = array<i32>} : memref<2x4x4x8x128xf32, #tpu.memory_space<vmem>>, vector<16xf32>,
      %gather3A_371 = arith.constant 17408 : i32
      %gather3A_372 = tpu.memref_slice %arg5[%gather3A_371] : memref<32768xf32, #tpu.memory_space<vmem>> -> memref<1024xf32, #tpu.memory_space<vmem>>
      %gather3A_373 = tpu.vector_load_idx %gather3A_372[%add3A_240] : memref<1024xf32, #tpu.memory_space<vmem>>[vector<16xi32>], vector<16xf32>,
      %swap3A_374 = arith.constant 1 : i32
      %swap3A_375 = arith.constant 0 : i32
      %swap3A_376 = arith.constant 1 : i32
      %swap3A_377 = arith.index_cast %select_n3A_232 : i32 to index
      %swap3A_378 = arith.index_cast %swap3A_374 : i32 to index
      %swap3A_379 = arith.index_cast %swap3A_375 : i32 to index
      %swap3A_380 = arith.index_cast %swap3A_376 : i32 to index
      %swap3A_381 = arith.constant 0 : index
      %swap3A_382 = tpu.vector_load %arg7[%swap3A_377, %swap3A_378, %swap3A_379, %swap3A_380, %swap3A_381] {strides = array<i32>} : memref<2x4x4x8x128xf32, #tpu.memory_space<vmem>>, vector<16xf32>,
      tpu.vector_store %arg7[%swap3A_377, %swap3A_378, %swap3A_379, %swap3A_380, %swap3A_381], %gather3A_277 {strides = array<i32>} : memref<2x4x4x8x128xf32, #tpu.memory_space<vmem>>, vector<16xf32>,
      %gather3A_383 = arith.constant 18432 : i32
      %gather3A_384 = tpu.memref_slice %arg5[%gather3A_383] : memref<32768xf32, #tpu.memory_space<vmem>> -> memref<1024xf32, #tpu.memory_space<vmem>>
      %gather3A_385 = tpu.vector_load_idx %gather3A_384[%add3A_240] : memref<1024xf32, #tpu.memory_space<vmem>>[vector<16xi32>], vector<16xf32>,
      %swap3A_386 = arith.constant 1 : i32
      %swap3A_387 = arith.constant 0 : i32
      %swap3A_388 = arith.constant 2 : i32
      %swap3A_389 = arith.index_cast %select_n3A_232 : i32 to index
      %swap3A_390 = arith.index_cast %swap3A_386 : i32 to index
      %swap3A_391 = arith.index_cast %swap3A_387 : i32 to index
      %swap3A_392 = arith.index_cast %swap3A_388 : i32 to index
      %swap3A_393 = arith.constant 0 : index
      %swap3A_394 = tpu.vector_load %arg7[%swap3A_389, %swap3A_390, %swap3A_391, %swap3A_392, %swap3A_393] {strides = array<i32>} : memref<2x4x4x8x128xf32, #tpu.memory_space<vmem>>, vector<16xf32>,
      tpu.vector_store %arg7[%swap3A_389, %swap3A_390, %swap3A_391, %swap3A_392, %swap3A_393], %gather3A_289 {strides = array<i32>} : memref<2x4x4x8x128xf32, #tpu.memory_space<vmem>>, vector<16xf32>,
      %gather3A_395 = arith.constant 19456 : i32
      %gather3A_396 = tpu.memref_slice %arg5[%gather3A_395] : memref<32768xf32, #tpu.memory_space<vmem>> -> memref<1024xf32, #tpu.memory_space<vmem>>
      %gather3A_397 = tpu.vector_load_idx %gather3A_396[%add3A_240] : memref<1024xf32, #tpu.memory_space<vmem>>[vector<16xi32>], vector<16xf32>,
      %swap3A_398 = arith.constant 1 : i32
      %swap3A_399 = arith.constant 0 : i32
      %swap3A_400 = arith.constant 3 : i32
      %swap3A_401 = arith.index_cast %select_n3A_232 : i32 to index
      %swap3A_402 = arith.index_cast %swap3A_398 : i32 to index
      %swap3A_403 = arith.index_cast %swap3A_399 : i32 to index
      %swap3A_404 = arith.index_cast %swap3A_400 : i32 to index
      %swap3A_405 = arith.constant 0 : index
      %swap3A_406 = tpu.vector_load %arg7[%swap3A_401, %swap3A_402, %swap3A_403, %swap3A_404, %swap3A_405] {strides = array<i32>} : memref<2x4x4x8x128xf32, #tpu.memory_space<vmem>>, vector<16xf32>,
      tpu.vector_store %arg7[%swap3A_401, %swap3A_402, %swap3A_403, %swap3A_404, %swap3A_405], %gather3A_301 {strides = array<i32>} : memref<2x4x4x8x128xf32, #tpu.memory_space<vmem>>, vector<16xf32>,
      %gather3A_407 = arith.constant 20480 : i32
      %gather3A_408 = tpu.memref_slice %arg5[%gather3A_407] : memref<32768xf32, #tpu.memory_space<vmem>> -> memref<1024xf32, #tpu.memory_space<vmem>>
      %gather3A_409 = tpu.vector_load_idx %gather3A_408[%add3A_240] : memref<1024xf32, #tpu.memory_space<vmem>>[vector<16xi32>], vector<16xf32>,
      %swap3A_410 = arith.constant 1 : i32
      %swap3A_411 = arith.constant 0 : i32
      %swap3A_412 = arith.constant 4 : i32
      %swap3A_413 = arith.index_cast %select_n3A_232 : i32 to index
      %swap3A_414 = arith.index_cast %swap3A_410 : i32 to index
      %swap3A_415 = arith.index_cast %swap3A_411 : i32 to index
      %swap3A_416 = arith.index_cast %swap3A_412 : i32 to index
      %swap3A_417 = arith.constant 0 : index
      %swap3A_418 = tpu.vector_load %arg7[%swap3A_413, %swap3A_414, %swap3A_415, %swap3A_416, %swap3A_417] {strides = array<i32>} : memref<2x4x4x8x128xf32, #tpu.memory_space<vmem>>, vector<16xf32>,
      tpu.vector_store %arg7[%swap3A_413, %swap3A_414, %swap3A_415, %swap3A_416, %swap3A_417], %gather3A_313 {strides = array<i32>} : memref<2x4x4x8x128xf32, #tpu.memory_space<vmem>>, vector<16xf32>,
      %gather3A_419 = arith.constant 21504 : i32
      %gather3A_420 = tpu.memref_slice %arg5[%gather3A_419] : memref<32768xf32, #tpu.memory_space<vmem>> -> memref<1024xf32, #tpu.memory_space<vmem>>
      %gather3A_421 = tpu.vector_load_idx %gather3A_420[%add3A_240] : memref<1024xf32, #tpu.memory_space<vmem>>[vector<16xi32>], vector<16xf32>,
      %swap3A_422 = arith.constant 1 : i32
      %swap3A_423 = arith.constant 0 : i32
      %swap3A_424 = arith.constant 5 : i32
      %swap3A_425 = arith.index_cast %select_n3A_232 : i32 to index
      %swap3A_426 = arith.index_cast %swap3A_422 : i32 to index
      %swap3A_427 = arith.index_cast %swap3A_423 : i32 to index
      %swap3A_428 = arith.index_cast %swap3A_424 : i32 to index
      %swap3A_429 = arith.constant 0 : index
      %swap3A_430 = tpu.vector_load %arg7[%swap3A_425, %swap3A_426, %swap3A_427, %swap3A_428, %swap3A_429] {strides = array<i32>} : memref<2x4x4x8x128xf32, #tpu.memory_space<vmem>>, vector<16xf32>,
      tpu.vector_store %arg7[%swap3A_425, %swap3A_426, %swap3A_427, %swap3A_428, %swap3A_429], %gather3A_325 {strides = array<i32>} : memref<2x4x4x8x128xf32, #tpu.memory_space<vmem>>, vector<16xf32>,
      %gather3A_431 = arith.constant 22528 : i32
      %gather3A_432 = tpu.memref_slice %arg5[%gather3A_431] : memref<32768xf32, #tpu.memory_space<vmem>> -> memref<1024xf32, #tpu.memory_space<vmem>>
      %gather3A_433 = tpu.vector_load_idx %gather3A_432[%add3A_240] : memref<1024xf32, #tpu.memory_space<vmem>>[vector<16xi32>], vector<16xf32>,
      %swap3A_434 = arith.constant 1 : i32
      %swap3A_435 = arith.constant 0 : i32
      %swap3A_436 = arith.constant 6 : i32
      %swap3A_437 = arith.index_cast %select_n3A_232 : i32 to index
      %swap3A_438 = arith.index_cast %swap3A_434 : i32 to index
      %swap3A_439 = arith.index_cast %swap3A_435 : i32 to index
      %swap3A_440 = arith.index_cast %swap3A_436 : i32 to index
      %swap3A_441 = arith.constant 0 : index
      %swap3A_442 = tpu.vector_load %arg7[%swap3A_437, %swap3A_438, %swap3A_439, %swap3A_440, %swap3A_441] {strides = array<i32>} : memref<2x4x4x8x128xf32, #tpu.memory_space<vmem>>, vector<16xf32>,
      tpu.vector_store %arg7[%swap3A_437, %swap3A_438, %swap3A_439, %swap3A_440, %swap3A_441], %gather3A_337 {strides = array<i32>} : memref<2x4x4x8x128xf32, #tpu.memory_space<vmem>>, vector<16xf32>,
      %gather3A_443 = arith.constant 23552 : i32
      %gather3A_444 = tpu.memref_slice %arg5[%gather3A_443] : memref<32768xf32, #tpu.memory_space<vmem>> -> memref<1024xf32, #tpu.memory_space<vmem>>
      %gather3A_445 = tpu.vector_load_idx %gather3A_444[%add3A_240] : memref<1024xf32, #tpu.memory_space<vmem>>[vector<16xi32>], vector<16xf32>,
      %swap3A_446 = arith.constant 1 : i32
      %swap3A_447 = arith.constant 0 : i32
      %swap3A_448 = arith.constant 7 : i32
      %swap3A_449 = arith.index_cast %select_n3A_232 : i32 to index
      %swap3A_450 = arith.index_cast %swap3A_446 : i32 to index
      %swap3A_451 = arith.index_cast %swap3A_447 : i32 to index
      %swap3A_452 = arith.index_cast %swap3A_448 : i32 to index
      %swap3A_453 = arith.constant 0 : index
      %swap3A_454 = tpu.vector_load %arg7[%swap3A_449, %swap3A_450, %swap3A_451, %swap3A_452, %swap3A_453] {strides = array<i32>} : memref<2x4x4x8x128xf32, #tpu.memory_space<vmem>>, vector<16xf32>,
      tpu.vector_store %arg7[%swap3A_449, %swap3A_450, %swap3A_451, %swap3A_452, %swap3A_453], %gather3A_349 {strides = array<i32>} : memref<2x4x4x8x128xf32, #tpu.memory_space<vmem>>, vector<16xf32>,
      %gather3A_455 = arith.constant 24576 : i32
      %gather3A_456 = tpu.memref_slice %arg5[%gather3A_455] : memref<32768xf32, #tpu.memory_space<vmem>> -> memref<1024xf32, #tpu.memory_space<vmem>>
      %gather3A_457 = tpu.vector_load_idx %gather3A_456[%add3A_240] : memref<1024xf32, #tpu.memory_space<vmem>>[vector<16xi32>], vector<16xf32>,
      %swap3A_458 = arith.constant 2 : i32
      %swap3A_459 = arith.constant 0 : i32
      %swap3A_460 = arith.constant 0 : i32
      %swap3A_461 = arith.index_cast %select_n3A_232 : i32 to index
      %swap3A_462 = arith.index_cast %swap3A_458 : i32 to index
      %swap3A_463 = arith.index_cast %swap3A_459 : i32 to index
      %swap3A_464 = arith.index_cast %swap3A_460 : i32 to index
      %swap3A_465 = arith.constant 0 : index
      %swap3A_466 = tpu.vector_load %arg7[%swap3A_461, %swap3A_462, %swap3A_463, %swap3A_464, %swap3A_465] {strides = array<i32>} : memref<2x4x4x8x128xf32, #tpu.memory_space<vmem>>, vector<16xf32>,
      tpu.vector_store %arg7[%swap3A_461, %swap3A_462, %swap3A_463, %swap3A_464, %swap3A_465], %gather3A_361 {strides = array<i32>} : memref<2x4x4x8x128xf32, #tpu.memory_space<vmem>>, vector<16xf32>,
      %gather3A_467 = arith.constant 25600 : i32
      %gather3A_468 = tpu.memref_slice %arg5[%gather3A_467] : memref<32768xf32, #tpu.memory_space<vmem>> -> memref<1024xf32, #tpu.memory_space<vmem>>
      %gather3A_469 = tpu.vector_load_idx %gather3A_468[%add3A_240] : memref<1024xf32, #tpu.memory_space<vmem>>[vector<16xi32>], vector<16xf32>,
      %swap3A_470 = arith.constant 2 : i32
      %swap3A_471 = arith.constant 0 : i32
      %swap3A_472 = arith.constant 1 : i32
      %swap3A_473 = arith.index_cast %select_n3A_232 : i32 to index
      %swap3A_474 = arith.index_cast %swap3A_470 : i32 to index
      %swap3A_475 = arith.index_cast %swap3A_471 : i32 to index
      %swap3A_476 = arith.index_cast %swap3A_472 : i32 to index
      %swap3A_477 = arith.constant 0 : index
      %swap3A_478 = tpu.vector_load %arg7[%swap3A_473, %swap3A_474, %swap3A_475, %swap3A_476, %swap3A_477] {strides = array<i32>} : memref<2x4x4x8x128xf32, #tpu.memory_space<vmem>>, vector<16xf32>,
      tpu.vector_store %arg7[%swap3A_473, %swap3A_474, %swap3A_475, %swap3A_476, %swap3A_477], %gather3A_373 {strides = array<i32>} : memref<2x4x4x8x128xf32, #tpu.memory_space<vmem>>, vector<16xf32>,
      %gather3A_479 = arith.constant 26624 : i32
      %gather3A_480 = tpu.memref_slice %arg5[%gather3A_479] : memref<32768xf32, #tpu.memory_space<vmem>> -> memref<1024xf32, #tpu.memory_space<vmem>>
      %gather3A_481 = tpu.vector_load_idx %gather3A_480[%add3A_240] : memref<1024xf32, #tpu.memory_space<vmem>>[vector<16xi32>], vector<16xf32>,
      %swap3A_482 = arith.constant 2 : i32
      %swap3A_483 = arith.constant 0 : i32
      %swap3A_484 = arith.constant 2 : i32
      %swap3A_485 = arith.index_cast %select_n3A_232 : i32 to index
      %swap3A_486 = arith.index_cast %swap3A_482 : i32 to index
      %swap3A_487 = arith.index_cast %swap3A_483 : i32 to index
      %swap3A_488 = arith.index_cast %swap3A_484 : i32 to index
      %swap3A_489 = arith.constant 0 : index
      %swap3A_490 = tpu.vector_load %arg7[%swap3A_485, %swap3A_486, %swap3A_487, %swap3A_488, %swap3A_489] {strides = array<i32>} : memref<2x4x4x8x128xf32, #tpu.memory_space<vmem>>, vector<16xf32>,
      tpu.vector_store %arg7[%swap3A_485, %swap3A_486, %swap3A_487, %swap3A_488, %swap3A_489], %gather3A_385 {strides = array<i32>} : memref<2x4x4x8x128xf32, #tpu.memory_space<vmem>>, vector<16xf32>,
      %gather3A_491 = arith.constant 27648 : i32
      %gather3A_492 = tpu.memref_slice %arg5[%gather3A_491] : memref<32768xf32, #tpu.memory_space<vmem>> -> memref<1024xf32, #tpu.memory_space<vmem>>
      %gather3A_493 = tpu.vector_load_idx %gather3A_492[%add3A_240] : memref<1024xf32, #tpu.memory_space<vmem>>[vector<16xi32>], vector<16xf32>,
      %swap3A_494 = arith.constant 2 : i32
      %swap3A_495 = arith.constant 0 : i32
      %swap3A_496 = arith.constant 3 : i32
      %swap3A_497 = arith.index_cast %select_n3A_232 : i32 to index
      %swap3A_498 = arith.index_cast %swap3A_494 : i32 to index
      %swap3A_499 = arith.index_cast %swap3A_495 : i32 to index
      %swap3A_500 = arith.index_cast %swap3A_496 : i32 to index
      %swap3A_501 = arith.constant 0 : index
      %swap3A_502 = tpu.vector_load %arg7[%swap3A_497, %swap3A_498, %swap3A_499, %swap3A_500, %swap3A_501] {strides = array<i32>} : memref<2x4x4x8x128xf32, #tpu.memory_space<vmem>>, vector<16xf32>,
      tpu.vector_store %arg7[%swap3A_497, %swap3A_498, %swap3A_499, %swap3A_500, %swap3A_501], %gather3A_397 {strides = array<i32>} : memref<2x4x4x8x128xf32, #tpu.memory_space<vmem>>, vector<16xf32>,
      %gather3A_503 = arith.constant 28672 : i32
      %gather3A_504 = tpu.memref_slice %arg5[%gather3A_503] : memref<32768xf32, #tpu.memory_space<vmem>> -> memref<1024xf32, #tpu.memory_space<vmem>>
      %gather3A_505 = tpu.vector_load_idx %gather3A_504[%add3A_240] : memref<1024xf32, #tpu.memory_space<vmem>>[vector<16xi32>], vector<16xf32>,
      %swap3A_506 = arith.constant 2 : i32
      %swap3A_507 = arith.constant 0 : i32
      %swap3A_508 = arith.constant 4 : i32
      %swap3A_509 = arith.index_cast %select_n3A_232 : i32 to index
      %swap3A_510 = arith.index_cast %swap3A_506 : i32 to index
      %swap3A_511 = arith.index_cast %swap3A_507 : i32 to index
      %swap3A_512 = arith.index_cast %swap3A_508 : i32 to index
      %swap3A_513 = arith.constant 0 : index
      %swap3A_514 = tpu.vector_load %arg7[%swap3A_509, %swap3A_510, %swap3A_511, %swap3A_512, %swap3A_513] {strides = array<i32>} : memref<2x4x4x8x128xf32, #tpu.memory_space<vmem>>, vector<16xf32>,
      tpu.vector_store %arg7[%swap3A_509, %swap3A_510, %swap3A_511, %swap3A_512, %swap3A_513], %gather3A_409 {strides = array<i32>} : memref<2x4x4x8x128xf32, #tpu.memory_space<vmem>>, vector<16xf32>,
      %gather3A_515 = arith.constant 29696 : i32
      %gather3A_516 = tpu.memref_slice %arg5[%gather3A_515] : memref<32768xf32, #tpu.memory_space<vmem>> -> memref<1024xf32, #tpu.memory_space<vmem>>
      %gather3A_517 = tpu.vector_load_idx %gather3A_516[%add3A_240] : memref<1024xf32, #tpu.memory_space<vmem>>[vector<16xi32>], vector<16xf32>,
      %swap3A_518 = arith.constant 2 : i32
      %swap3A_519 = arith.constant 0 : i32
      %swap3A_520 = arith.constant 5 : i32
      %swap3A_521 = arith.index_cast %select_n3A_232 : i32 to index
      %swap3A_522 = arith.index_cast %swap3A_518 : i32 to index
      %swap3A_523 = arith.index_cast %swap3A_519 : i32 to index
      %swap3A_524 = arith.index_cast %swap3A_520 : i32 to index
      %swap3A_525 = arith.constant 0 : index
      %swap3A_526 = tpu.vector_load %arg7[%swap3A_521, %swap3A_522, %swap3A_523, %swap3A_524, %swap3A_525] {strides = array<i32>} : memref<2x4x4x8x128xf32, #tpu.memory_space<vmem>>, vector<16xf32>,
      tpu.vector_store %arg7[%swap3A_521, %swap3A_522, %swap3A_523, %swap3A_524, %swap3A_525], %gather3A_421 {strides = array<i32>} : memref<2x4x4x8x128xf32, #tpu.memory_space<vmem>>, vector<16xf32>,
      %gather3A_527 = arith.constant 30720 : i32
      %gather3A_528 = tpu.memref_slice %arg5[%gather3A_527] : memref<32768xf32, #tpu.memory_space<vmem>> -> memref<1024xf32, #tpu.memory_space<vmem>>
      %gather3A_529 = tpu.vector_load_idx %gather3A_528[%add3A_240] : memref<1024xf32, #tpu.memory_space<vmem>>[vector<16xi32>], vector<16xf32>,
      %swap3A_530 = arith.constant 2 : i32
      %swap3A_531 = arith.constant 0 : i32
      %swap3A_532 = arith.constant 6 : i32
      %swap3A_533 = arith.index_cast %select_n3A_232 : i32 to index
      %swap3A_534 = arith.index_cast %swap3A_530 : i32 to index
      %swap3A_535 = arith.index_cast %swap3A_531 : i32 to index
      %swap3A_536 = arith.index_cast %swap3A_532 : i32 to index
      %swap3A_537 = arith.constant 0 : index
      %swap3A_538 = tpu.vector_load %arg7[%swap3A_533, %swap3A_534, %swap3A_535, %swap3A_536, %swap3A_537] {strides = array<i32>} : memref<2x4x4x8x128xf32, #tpu.memory_space<vmem>>, vector<16xf32>,
      tpu.vector_store %arg7[%swap3A_533, %swap3A_534, %swap3A_535, %swap3A_536, %swap3A_537], %gather3A_433 {strides = array<i32>} : memref<2x4x4x8x128xf32, #tpu.memory_space<vmem>>, vector<16xf32>,
      %gather3A_539 = arith.constant 31744 : i32
      %gather3A_540 = tpu.memref_slice %arg5[%gather3A_539] : memref<32768xf32, #tpu.memory_space<vmem>> -> memref<1024xf32, #tpu.memory_space<vmem>>
      %gather3A_541 = tpu.vector_load_idx %gather3A_540[%add3A_240] : memref<1024xf32, #tpu.memory_space<vmem>>[vector<16xi32>], vector<16xf32>,
      %swap3A_542 = arith.constant 2 : i32
      %swap3A_543 = arith.constant 0 : i32
      %swap3A_544 = arith.constant 7 : i32
      %swap3A_545 = arith.index_cast %select_n3A_232 : i32 to index
      %swap3A_546 = arith.index_cast %swap3A_542 : i32 to index
      %swap3A_547 = arith.index_cast %swap3A_543 : i32 to index
      %swap3A_548 = arith.index_cast %swap3A_544 : i32 to index
      %swap3A_549 = arith.constant 0 : index
      %swap3A_550 = tpu.vector_load %arg7[%swap3A_545, %swap3A_546, %swap3A_547, %swap3A_548, %swap3A_549] {strides = array<i32>} : memref<2x4x4x8x128xf32, #tpu.memory_space<vmem>>, vector<16xf32>,
      tpu.vector_store %arg7[%swap3A_545, %swap3A_546, %swap3A_547, %swap3A_548, %swap3A_549], %gather3A_445 {strides = array<i32>} : memref<2x4x4x8x128xf32, #tpu.memory_space<vmem>>, vector<16xf32>,
      %scan3A_551 = arith.constant 1 : i32
      %scan3A_552 = arith.constant 31 : i32
      %scan3A_553 = arith.addi %scan3A_551, %scan3A_552 : i32
      %scan3A_554 = arith.constant 1 : i32
      %scan3A_555:8 = scf.for %scan3A_724 = %scan3A_551 to %scan3A_553 step %scan3A_554 iter_args(%scan3A_725 = %gather3A_457, %scan3A_726 = %gather3A_469, %scan3A_727 = %gather3A_481, %scan3A_728 = %gather3A_493, %scan3A_729 = %gather3A_505, %scan3A_730 = %gather3A_517, %scan3A_731 = %gather3A_529, %scan3A_732 = %gather3A_541) -> (vector<16xf32>, vector<16xf32>, vector<16xf32>, vector<16xf32>, vector<16xf32>, vector<16xf32>, vector<16xf32>, vector<16xf32>)  : i32 {
        %sub3A = arith.constant 1 : i32
        %sub3A_733 = arith.subi %scan3A_724, %sub3A : i32
        %jit3A_734 = arith.constant 8 : i32
        %div3A = arith.divsi %sub3A_733, %jit3A_734 : i32
        %sign3A = arith.constant 0 : i32
        %sign3A_735 = arith.cmpi sgt, %sub3A_733, %sign3A : i32
        %sign3A_736 = arith.extui %sign3A_735 : i1 to i32
        %sign3A_737 = arith.constant 0 : i32
        %sign3A_738 = arith.cmpi slt, %sub3A_733, %sign3A_737 : i32
        %sign3A_739 = arith.extui %sign3A_738 : i1 to i32
        %sign3A_740 = arith.subi %sign3A_736, %sign3A_739 : i32
        %sign3A_741 = arith.constant 0 : i32
        %sign3A_742 = arith.cmpi sgt, %jit3A_734, %sign3A_741 : i32
        %sign3A_743 = arith.extui %sign3A_742 : i1 to i32
        %sign3A_744 = arith.constant 0 : i32
        %sign3A_745 = arith.cmpi slt, %jit3A_734, %sign3A_744 : i32
        %sign3A_746 = arith.extui %sign3A_745 : i1 to i32
        %sign3A_747 = arith.subi %sign3A_743, %sign3A_746 : i32
        %ne3A_748 = arith.cmpi ne, %sign3A_740, %sign3A_747 : i32
        %rem3A_749 = arith.remsi %sub3A_733, %jit3A_734 : i32
        %ne3A_750 = arith.constant 0 : i32
        %ne3A_751 = arith.cmpi ne, %rem3A_749, %ne3A_750 : i32
        %and3A_752 = arith.andi %ne3A_748, %ne3A_751 : i1
        %sub3A_753 = arith.constant 1 : i32
        %sub3A_754 = arith.subi %div3A, %sub3A_753 : i32
        %select_n3A_755 = arith.select %and3A_752, %sub3A_754, %div3A : i32
        %jit3A_756 = arith.constant 8 : i32
        %eq3A_757 = arith.constant 0 : i32
        %eq3A_758 = arith.cmpi eq, %jit3A_756, %eq3A_757 : i32
        %jit3A_759 = arith.constant 1 : i32
        %select_n3A_760 = arith.select %eq3A_758, %jit3A_759, %jit3A_756 : i32
        %rem3A_761 = arith.remsi %sub3A_733, %select_n3A_760 : i32
        %ne3A_762 = arith.constant 0 : i32
        %ne3A_763 = arith.cmpi ne, %rem3A_761, %ne3A_762 : i32
        %lt3A_764 = arith.constant 0 : i32
        %lt3A_765 = arith.cmpi slt, %rem3A_761, %lt3A_764 : i32
        %lt3A_766 = arith.constant 0 : i32
        %lt3A_767 = arith.cmpi slt, %select_n3A_760, %lt3A_766 : i32
        %ne3A_768 = arith.xori %lt3A_765, %lt3A_767 : i1
        %and3A_769 = arith.andi %ne3A_768, %ne3A_763 : i1
        %add3A_770 = arith.addi %rem3A_761, %select_n3A_760 : i32
        %select_n3A_771 = arith.select %and3A_769, %add3A_770, %rem3A_761 : i32
        %mul3A_772 = arith.constant 16 : i32
        %mul3A_773 = arith.muli %select_n3A_771, %mul3A_772 : i32
        %jit3A_774 = arith.constant 8 : i32
        %div3A_775 = arith.divsi %scan3A_724, %jit3A_774 : i32
        %sign3A_776 = arith.constant 0 : i32
        %sign3A_777 = arith.cmpi sgt, %scan3A_724, %sign3A_776 : i32
        %sign3A_778 = arith.extui %sign3A_777 : i1 to i32
        %sign3A_779 = arith.constant 0 : i32
        %sign3A_780 = arith.cmpi slt, %scan3A_724, %sign3A_779 : i32
        %sign3A_781 = arith.extui %sign3A_780 : i1 to i32
        %sign3A_782 = arith.subi %sign3A_778, %sign3A_781 : i32
        %sign3A_783 = arith.constant 0 : i32
        %sign3A_784 = arith.cmpi sgt, %jit3A_774, %sign3A_783 : i32
        %sign3A_785 = arith.extui %sign3A_784 : i1 to i32
        %sign3A_786 = arith.constant 0 : i32
        %sign3A_787 = arith.cmpi slt, %jit3A_774, %sign3A_786 : i32
        %sign3A_788 = arith.extui %sign3A_787 : i1 to i32
        %sign3A_789 = arith.subi %sign3A_785, %sign3A_788 : i32
        %ne3A_790 = arith.cmpi ne, %sign3A_782, %sign3A_789 : i32
        %rem3A_791 = arith.remsi %scan3A_724, %jit3A_774 : i32
        %ne3A_792 = arith.constant 0 : i32
        %ne3A_793 = arith.cmpi ne, %rem3A_791, %ne3A_792 : i32
        %and3A_794 = arith.andi %ne3A_790, %ne3A_793 : i1
        %sub3A_795 = arith.constant 1 : i32
        %sub3A_796 = arith.subi %div3A_775, %sub3A_795 : i32
        %select_n3A_797 = arith.select %and3A_794, %sub3A_796, %div3A_775 : i32
        %jit3A_798 = arith.constant 8 : i32
        %eq3A_799 = arith.constant 0 : i32
        %eq3A_800 = arith.cmpi eq, %jit3A_798, %eq3A_799 : i32
        %jit3A_801 = arith.constant 1 : i32
        %select_n3A_802 = arith.select %eq3A_800, %jit3A_801, %jit3A_798 : i32
        %rem3A_803 = arith.remsi %scan3A_724, %select_n3A_802 : i32
        %ne3A_804 = arith.constant 0 : i32
        %ne3A_805 = arith.cmpi ne, %rem3A_803, %ne3A_804 : i32
        %lt3A_806 = arith.constant 0 : i32
        %lt3A_807 = arith.cmpi slt, %rem3A_803, %lt3A_806 : i32
        %lt3A_808 = arith.constant 0 : i32
        %lt3A_809 = arith.cmpi slt, %select_n3A_802, %lt3A_808 : i32
        %ne3A_810 = arith.xori %lt3A_807, %lt3A_809 : i1
        %and3A_811 = arith.andi %ne3A_810, %ne3A_805 : i1
        %add3A_812 = arith.addi %rem3A_803, %select_n3A_802 : i32
        %select_n3A_813 = arith.select %and3A_811, %add3A_812, %rem3A_803 : i32
        %mul3A_814 = arith.constant 16 : i32
        %mul3A_815 = arith.muli %select_n3A_813, %mul3A_814 : i32
        %mul3A_816 = arith.constant 16 : i32
        %mul3A_817 = arith.muli %scan3A_724, %mul3A_816 : i32
        %get3A_818 = arith.index_cast %scan3A_223 : i32 to index
        %get3A_819 = arith.index_cast %mul3A_817 : i32 to index
        %get3A_820 = tpu.vector_load %arg6[%get3A_818, %get3A_819] {strides = array<i32>} : memref<20x512xi32, #tpu.memory_space<vmem>>, vector<16xi32>,
        %mul3A_821 = arith.constant 16 : i32
        %mul3A_822 = vector.broadcast %mul3A_821 : i32 to vector<16xi32>
        %mul3A_823 = arith.muli %get3A_820, %mul3A_822 : vector<16xi32>
        %iota3A_824 = tpu.iota {dimensions = array<i32: 0>} : vector<16xi32>
        %add3A_825 = arith.addi %mul3A_823, %iota3A_824 : vector<16xi32>
        %gather3A_826 = arith.constant 0 : i32
        %gather3A_827 = tpu.memref_slice %arg5[%gather3A_826] : memref<32768xf32, #tpu.memory_space<vmem>> -> memref<1024xf32, #tpu.memory_space<vmem>>
        %gather3A_828 = tpu.vector_load_idx %gather3A_827[%add3A_825] : memref<1024xf32, #tpu.memory_space<vmem>>[vector<16xi32>], vector<16xf32>,
        %swap3A_829 = arith.constant 3 : i32
        %swap3A_830 = arith.constant 0 : i32
        %swap3A_831 = arith.index_cast %select_n3A_232 : i32 to index
        %swap3A_832 = arith.index_cast %swap3A_829 : i32 to index
        %swap3A_833 = arith.index_cast %select_n3A_755 : i32 to index
        %swap3A_834 = arith.index_cast %swap3A_830 : i32 to index
        %swap3A_835 = arith.index_cast %mul3A_773 : i32 to index
        %swap3A_836 = tpu.vector_load %arg7[%swap3A_831, %swap3A_832, %swap3A_833, %swap3A_834, %swap3A_835] {strides = array<i32>} : memref<2x4x4x8x128xf32, #tpu.memory_space<vmem>>, vector<16xf32>,
        tpu.vector_store %arg7[%swap3A_831, %swap3A_832, %swap3A_833, %swap3A_834, %swap3A_835], %scan3A_725 {strides = array<i32>} : memref<2x4x4x8x128xf32, #tpu.memory_space<vmem>>, vector<16xf32>,
        %gather3A_837 = arith.constant 1024 : i32
        %gather3A_838 = tpu.memref_slice %arg5[%gather3A_837] : memref<32768xf32, #tpu.memory_space<vmem>> -> memref<1024xf32, #tpu.memory_space<vmem>>
        %gather3A_839 = tpu.vector_load_idx %gather3A_838[%add3A_825] : memref<1024xf32, #tpu.memory_space<vmem>>[vector<16xi32>], vector<16xf32>,
        %swap3A_840 = arith.constant 3 : i32
        %swap3A_841 = arith.constant 1 : i32
        %swap3A_842 = arith.index_cast %select_n3A_232 : i32 to index
        %swap3A_843 = arith.index_cast %swap3A_840 : i32 to index
        %swap3A_844 = arith.index_cast %select_n3A_755 : i32 to index
        %swap3A_845 = arith.index_cast %swap3A_841 : i32 to index
        %swap3A_846 = arith.index_cast %mul3A_773 : i32 to index
        %swap3A_847 = tpu.vector_load %arg7[%swap3A_842, %swap3A_843, %swap3A_844, %swap3A_845, %swap3A_846] {strides = array<i32>} : memref<2x4x4x8x128xf32, #tpu.memory_space<vmem>>, vector<16xf32>,
        tpu.vector_store %arg7[%swap3A_842, %swap3A_843, %swap3A_844, %swap3A_845, %swap3A_846], %scan3A_726 {strides = array<i32>} : memref<2x4x4x8x128xf32, #tpu.memory_space<vmem>>, vector<16xf32>,
        %gather3A_848 = arith.constant 2048 : i32
        %gather3A_849 = tpu.memref_slice %arg5[%gather3A_848] : memref<32768xf32, #tpu.memory_space<vmem>> -> memref<1024xf32, #tpu.memory_space<vmem>>
        %gather3A_850 = tpu.vector_load_idx %gather3A_849[%add3A_825] : memref<1024xf32, #tpu.memory_space<vmem>>[vector<16xi32>], vector<16xf32>,
        %swap3A_851 = arith.constant 3 : i32
        %swap3A_852 = arith.constant 2 : i32
        %swap3A_853 = arith.index_cast %select_n3A_232 : i32 to index
        %swap3A_854 = arith.index_cast %swap3A_851 : i32 to index
        %swap3A_855 = arith.index_cast %select_n3A_755 : i32 to index
        %swap3A_856 = arith.index_cast %swap3A_852 : i32 to index
        %swap3A_857 = arith.index_cast %mul3A_773 : i32 to index
        %swap3A_858 = tpu.vector_load %arg7[%swap3A_853, %swap3A_854, %swap3A_855, %swap3A_856, %swap3A_857] {strides = array<i32>} : memref<2x4x4x8x128xf32, #tpu.memory_space<vmem>>, vector<16xf32>,
        tpu.vector_store %arg7[%swap3A_853, %swap3A_854, %swap3A_855, %swap3A_856, %swap3A_857], %scan3A_727 {strides = array<i32>} : memref<2x4x4x8x128xf32, #tpu.memory_space<vmem>>, vector<16xf32>,
        %gather3A_859 = arith.constant 3072 : i32
        %gather3A_860 = tpu.memref_slice %arg5[%gather3A_859] : memref<32768xf32, #tpu.memory_space<vmem>> -> memref<1024xf32, #tpu.memory_space<vmem>>
        %gather3A_861 = tpu.vector_load_idx %gather3A_860[%add3A_825] : memref<1024xf32, #tpu.memory_space<vmem>>[vector<16xi32>], vector<16xf32>,
        %swap3A_862 = arith.constant 3 : i32
        %swap3A_863 = arith.constant 3 : i32
        %swap3A_864 = arith.index_cast %select_n3A_232 : i32 to index
        %swap3A_865 = arith.index_cast %swap3A_862 : i32 to index
        %swap3A_866 = arith.index_cast %select_n3A_755 : i32 to index
        %swap3A_867 = arith.index_cast %swap3A_863 : i32 to index
        %swap3A_868 = arith.index_cast %mul3A_773 : i32 to index
        %swap3A_869 = tpu.vector_load %arg7[%swap3A_864, %swap3A_865, %swap3A_866, %swap3A_867, %swap3A_868] {strides = array<i32>} : memref<2x4x4x8x128xf32, #tpu.memory_space<vmem>>, vector<16xf32>,
        tpu.vector_store %arg7[%swap3A_864, %swap3A_865, %swap3A_866, %swap3A_867, %swap3A_868], %scan3A_728 {strides = array<i32>} : memref<2x4x4x8x128xf32, #tpu.memory_space<vmem>>, vector<16xf32>,
        %gather3A_870 = arith.constant 4096 : i32
        %gather3A_871 = tpu.memref_slice %arg5[%gather3A_870] : memref<32768xf32, #tpu.memory_space<vmem>> -> memref<1024xf32, #tpu.memory_space<vmem>>
        %gather3A_872 = tpu.vector_load_idx %gather3A_871[%add3A_825] : memref<1024xf32, #tpu.memory_space<vmem>>[vector<16xi32>], vector<16xf32>,
        %swap3A_873 = arith.constant 3 : i32
        %swap3A_874 = arith.constant 4 : i32
        %swap3A_875 = arith.index_cast %select_n3A_232 : i32 to index
        %swap3A_876 = arith.index_cast %swap3A_873 : i32 to index
        %swap3A_877 = arith.index_cast %select_n3A_755 : i32 to index
        %swap3A_878 = arith.index_cast %swap3A_874 : i32 to index
        %swap3A_879 = arith.index_cast %mul3A_773 : i32 to index
        %swap3A_880 = tpu.vector_load %arg7[%swap3A_875, %swap3A_876, %swap3A_877, %swap3A_878, %swap3A_879] {strides = array<i32>} : memref<2x4x4x8x128xf32, #tpu.memory_space<vmem>>, vector<16xf32>,
        tpu.vector_store %arg7[%swap3A_875, %swap3A_876, %swap3A_877, %swap3A_878, %swap3A_879], %scan3A_729 {strides = array<i32>} : memref<2x4x4x8x128xf32, #tpu.memory_space<vmem>>, vector<16xf32>,
        %gather3A_881 = arith.constant 5120 : i32
        %gather3A_882 = tpu.memref_slice %arg5[%gather3A_881] : memref<32768xf32, #tpu.memory_space<vmem>> -> memref<1024xf32, #tpu.memory_space<vmem>>
        %gather3A_883 = tpu.vector_load_idx %gather3A_882[%add3A_825] : memref<1024xf32, #tpu.memory_space<vmem>>[vector<16xi32>], vector<16xf32>,
        %swap3A_884 = arith.constant 3 : i32
        %swap3A_885 = arith.constant 5 : i32
        %swap3A_886 = arith.index_cast %select_n3A_232 : i32 to index
        %swap3A_887 = arith.index_cast %swap3A_884 : i32 to index
        %swap3A_888 = arith.index_cast %select_n3A_755 : i32 to index
        %swap3A_889 = arith.index_cast %swap3A_885 : i32 to index
        %swap3A_890 = arith.index_cast %mul3A_773 : i32 to index
        %swap3A_891 = tpu.vector_load %arg7[%swap3A_886, %swap3A_887, %swap3A_888, %swap3A_889, %swap3A_890] {strides = array<i32>} : memref<2x4x4x8x128xf32, #tpu.memory_space<vmem>>, vector<16xf32>,
        tpu.vector_store %arg7[%swap3A_886, %swap3A_887, %swap3A_888, %swap3A_889, %swap3A_890], %scan3A_730 {strides = array<i32>} : memref<2x4x4x8x128xf32, #tpu.memory_space<vmem>>, vector<16xf32>,
        %gather3A_892 = arith.constant 6144 : i32
        %gather3A_893 = tpu.memref_slice %arg5[%gather3A_892] : memref<32768xf32, #tpu.memory_space<vmem>> -> memref<1024xf32, #tpu.memory_space<vmem>>
        %gather3A_894 = tpu.vector_load_idx %gather3A_893[%add3A_825] : memref<1024xf32, #tpu.memory_space<vmem>>[vector<16xi32>], vector<16xf32>,
        %swap3A_895 = arith.constant 3 : i32
        %swap3A_896 = arith.constant 6 : i32
        %swap3A_897 = arith.index_cast %select_n3A_232 : i32 to index
        %swap3A_898 = arith.index_cast %swap3A_895 : i32 to index
        %swap3A_899 = arith.index_cast %select_n3A_755 : i32 to index
        %swap3A_900 = arith.index_cast %swap3A_896 : i32 to index
        %swap3A_901 = arith.index_cast %mul3A_773 : i32 to index
        %swap3A_902 = tpu.vector_load %arg7[%swap3A_897, %swap3A_898, %swap3A_899, %swap3A_900, %swap3A_901] {strides = array<i32>} : memref<2x4x4x8x128xf32, #tpu.memory_space<vmem>>, vector<16xf32>,
        tpu.vector_store %arg7[%swap3A_897, %swap3A_898, %swap3A_899, %swap3A_900, %swap3A_901], %scan3A_731 {strides = array<i32>} : memref<2x4x4x8x128xf32, #tpu.memory_space<vmem>>, vector<16xf32>,
        %gather3A_903 = arith.constant 7168 : i32
        %gather3A_904 = tpu.memref_slice %arg5[%gather3A_903] : memref<32768xf32, #tpu.memory_space<vmem>> -> memref<1024xf32, #tpu.memory_space<vmem>>
        %gather3A_905 = tpu.vector_load_idx %gather3A_904[%add3A_825] : memref<1024xf32, #tpu.memory_space<vmem>>[vector<16xi32>], vector<16xf32>,
        %swap3A_906 = arith.constant 3 : i32
        %swap3A_907 = arith.constant 7 : i32
        %swap3A_908 = arith.index_cast %select_n3A_232 : i32 to index
        %swap3A_909 = arith.index_cast %swap3A_906 : i32 to index
        %swap3A_910 = arith.index_cast %select_n3A_755 : i32 to index
        %swap3A_911 = arith.index_cast %swap3A_907 : i32 to index
        %swap3A_912 = arith.index_cast %mul3A_773 : i32 to index
        %swap3A_913 = tpu.vector_load %arg7[%swap3A_908, %swap3A_909, %swap3A_910, %swap3A_911, %swap3A_912] {strides = array<i32>} : memref<2x4x4x8x128xf32, #tpu.memory_space<vmem>>, vector<16xf32>,
        tpu.vector_store %arg7[%swap3A_908, %swap3A_909, %swap3A_910, %swap3A_911, %swap3A_912], %scan3A_732 {strides = array<i32>} : memref<2x4x4x8x128xf32, #tpu.memory_space<vmem>>, vector<16xf32>,
        %gather3A_914 = arith.constant 8192 : i32
        %gather3A_915 = tpu.memref_slice %arg5[%gather3A_914] : memref<32768xf32, #tpu.memory_space<vmem>> -> memref<1024xf32, #tpu.memory_space<vmem>>
        %gather3A_916 = tpu.vector_load_idx %gather3A_915[%add3A_825] : memref<1024xf32, #tpu.memory_space<vmem>>[vector<16xi32>], vector<16xf32>,
        %swap3A_917 = arith.constant 0 : i32
        %swap3A_918 = arith.constant 0 : i32
        %swap3A_919 = arith.index_cast %select_n3A_232 : i32 to index
        %swap3A_920 = arith.index_cast %swap3A_917 : i32 to index
        %swap3A_921 = arith.index_cast %select_n3A_797 : i32 to index
        %swap3A_922 = arith.index_cast %swap3A_918 : i32 to index
        %swap3A_923 = arith.index_cast %mul3A_815 : i32 to index
        %swap3A_924 = tpu.vector_load %arg7[%swap3A_919, %swap3A_920, %swap3A_921, %swap3A_922, %swap3A_923] {strides = array<i32>} : memref<2x4x4x8x128xf32, #tpu.memory_space<vmem>>, vector<16xf32>,
        tpu.vector_store %arg7[%swap3A_919, %swap3A_920, %swap3A_921, %swap3A_922, %swap3A_923], %gather3A_828 {strides = array<i32>} : memref<2x4x4x8x128xf32, #tpu.memory_space<vmem>>, vector<16xf32>,
        %gather3A_925 = arith.constant 9216 : i32
        %gather3A_926 = tpu.memref_slice %arg5[%gather3A_925] : memref<32768xf32, #tpu.memory_space<vmem>> -> memref<1024xf32, #tpu.memory_space<vmem>>
        %gather3A_927 = tpu.vector_load_idx %gather3A_926[%add3A_825] : memref<1024xf32, #tpu.memory_space<vmem>>[vector<16xi32>], vector<16xf32>,
        %swap3A_928 = arith.constant 0 : i32
        %swap3A_929 = arith.constant 1 : i32
        %swap3A_930 = arith.index_cast %select_n3A_232 : i32 to index
        %swap3A_931 = arith.index_cast %swap3A_928 : i32 to index
        %swap3A_932 = arith.index_cast %select_n3A_797 : i32 to index
        %swap3A_933 = arith.index_cast %swap3A_929 : i32 to index
        %swap3A_934 = arith.index_cast %mul3A_815 : i32 to index
        %swap3A_935 = tpu.vector_load %arg7[%swap3A_930, %swap3A_931, %swap3A_932, %swap3A_933, %swap3A_934] {strides = array<i32>} : memref<2x4x4x8x128xf32, #tpu.memory_space<vmem>>, vector<16xf32>,
        tpu.vector_store %arg7[%swap3A_930, %swap3A_931, %swap3A_932, %swap3A_933, %swap3A_934], %gather3A_839 {strides = array<i32>} : memref<2x4x4x8x128xf32, #tpu.memory_space<vmem>>, vector<16xf32>,
        %gather3A_936 = arith.constant 10240 : i32
        %gather3A_937 = tpu.memref_slice %arg5[%gather3A_936] : memref<32768xf32, #tpu.memory_space<vmem>> -> memref<1024xf32, #tpu.memory_space<vmem>>
        %gather3A_938 = tpu.vector_load_idx %gather3A_937[%add3A_825] : memref<1024xf32, #tpu.memory_space<vmem>>[vector<16xi32>], vector<16xf32>,
        %swap3A_939 = arith.constant 0 : i32
        %swap3A_940 = arith.constant 2 : i32
        %swap3A_941 = arith.index_cast %select_n3A_232 : i32 to index
        %swap3A_942 = arith.index_cast %swap3A_939 : i32 to index
        %swap3A_943 = arith.index_cast %select_n3A_797 : i32 to index
        %swap3A_944 = arith.index_cast %swap3A_940 : i32 to index
        %swap3A_945 = arith.index_cast %mul3A_815 : i32 to index
        %swap3A_946 = tpu.vector_load %arg7[%swap3A_941, %swap3A_942, %swap3A_943, %swap3A_944, %swap3A_945] {strides = array<i32>} : memref<2x4x4x8x128xf32, #tpu.memory_space<vmem>>, vector<16xf32>,
        tpu.vector_store %arg7[%swap3A_941, %swap3A_942, %swap3A_943, %swap3A_944, %swap3A_945], %gather3A_850 {strides = array<i32>} : memref<2x4x4x8x128xf32, #tpu.memory_space<vmem>>, vector<16xf32>,
        %gather3A_947 = arith.constant 11264 : i32
        %gather3A_948 = tpu.memref_slice %arg5[%gather3A_947] : memref<32768xf32, #tpu.memory_space<vmem>> -> memref<1024xf32, #tpu.memory_space<vmem>>
        %gather3A_949 = tpu.vector_load_idx %gather3A_948[%add3A_825] : memref<1024xf32, #tpu.memory_space<vmem>>[vector<16xi32>], vector<16xf32>,
        %swap3A_950 = arith.constant 0 : i32
        %swap3A_951 = arith.constant 3 : i32
        %swap3A_952 = arith.index_cast %select_n3A_232 : i32 to index
        %swap3A_953 = arith.index_cast %swap3A_950 : i32 to index
        %swap3A_954 = arith.index_cast %select_n3A_797 : i32 to index
        %swap3A_955 = arith.index_cast %swap3A_951 : i32 to index
        %swap3A_956 = arith.index_cast %mul3A_815 : i32 to index
        %swap3A_957 = tpu.vector_load %arg7[%swap3A_952, %swap3A_953, %swap3A_954, %swap3A_955, %swap3A_956] {strides = array<i32>} : memref<2x4x4x8x128xf32, #tpu.memory_space<vmem>>, vector<16xf32>,
        tpu.vector_store %arg7[%swap3A_952, %swap3A_953, %swap3A_954, %swap3A_955, %swap3A_956], %gather3A_861 {strides = array<i32>} : memref<2x4x4x8x128xf32, #tpu.memory_space<vmem>>, vector<16xf32>,
        %gather3A_958 = arith.constant 12288 : i32
        %gather3A_959 = tpu.memref_slice %arg5[%gather3A_958] : memref<32768xf32, #tpu.memory_space<vmem>> -> memref<1024xf32, #tpu.memory_space<vmem>>
        %gather3A_960 = tpu.vector_load_idx %gather3A_959[%add3A_825] : memref<1024xf32, #tpu.memory_space<vmem>>[vector<16xi32>], vector<16xf32>,
        %swap3A_961 = arith.constant 0 : i32
        %swap3A_962 = arith.constant 4 : i32
        %swap3A_963 = arith.index_cast %select_n3A_232 : i32 to index
        %swap3A_964 = arith.index_cast %swap3A_961 : i32 to index
        %swap3A_965 = arith.index_cast %select_n3A_797 : i32 to index
        %swap3A_966 = arith.index_cast %swap3A_962 : i32 to index
        %swap3A_967 = arith.index_cast %mul3A_815 : i32 to index
        %swap3A_968 = tpu.vector_load %arg7[%swap3A_963, %swap3A_964, %swap3A_965, %swap3A_966, %swap3A_967] {strides = array<i32>} : memref<2x4x4x8x128xf32, #tpu.memory_space<vmem>>, vector<16xf32>,
        tpu.vector_store %arg7[%swap3A_963, %swap3A_964, %swap3A_965, %swap3A_966, %swap3A_967], %gather3A_872 {strides = array<i32>} : memref<2x4x4x8x128xf32, #tpu.memory_space<vmem>>, vector<16xf32>,
        %gather3A_969 = arith.constant 13312 : i32
        %gather3A_970 = tpu.memref_slice %arg5[%gather3A_969] : memref<32768xf32, #tpu.memory_space<vmem>> -> memref<1024xf32, #tpu.memory_space<vmem>>
        %gather3A_971 = tpu.vector_load_idx %gather3A_970[%add3A_825] : memref<1024xf32, #tpu.memory_space<vmem>>[vector<16xi32>], vector<16xf32>,
        %swap3A_972 = arith.constant 0 : i32
        %swap3A_973 = arith.constant 5 : i32
        %swap3A_974 = arith.index_cast %select_n3A_232 : i32 to index
        %swap3A_975 = arith.index_cast %swap3A_972 : i32 to index
        %swap3A_976 = arith.index_cast %select_n3A_797 : i32 to index
        %swap3A_977 = arith.index_cast %swap3A_973 : i32 to index
        %swap3A_978 = arith.index_cast %mul3A_815 : i32 to index
        %swap3A_979 = tpu.vector_load %arg7[%swap3A_974, %swap3A_975, %swap3A_976, %swap3A_977, %swap3A_978] {strides = array<i32>} : memref<2x4x4x8x128xf32, #tpu.memory_space<vmem>>, vector<16xf32>,
        tpu.vector_store %arg7[%swap3A_974, %swap3A_975, %swap3A_976, %swap3A_977, %swap3A_978], %gather3A_883 {strides = array<i32>} : memref<2x4x4x8x128xf32, #tpu.memory_space<vmem>>, vector<16xf32>,
        %gather3A_980 = arith.constant 14336 : i32
        %gather3A_981 = tpu.memref_slice %arg5[%gather3A_980] : memref<32768xf32, #tpu.memory_space<vmem>> -> memref<1024xf32, #tpu.memory_space<vmem>>
        %gather3A_982 = tpu.vector_load_idx %gather3A_981[%add3A_825] : memref<1024xf32, #tpu.memory_space<vmem>>[vector<16xi32>], vector<16xf32>,
        %swap3A_983 = arith.constant 0 : i32
        %swap3A_984 = arith.constant 6 : i32
        %swap3A_985 = arith.index_cast %select_n3A_232 : i32 to index
        %swap3A_986 = arith.index_cast %swap3A_983 : i32 to index
        %swap3A_987 = arith.index_cast %select_n3A_797 : i32 to index
        %swap3A_988 = arith.index_cast %swap3A_984 : i32 to index
        %swap3A_989 = arith.index_cast %mul3A_815 : i32 to index
        %swap3A_990 = tpu.vector_load %arg7[%swap3A_985, %swap3A_986, %swap3A_987, %swap3A_988, %swap3A_989] {strides = array<i32>} : memref<2x4x4x8x128xf32, #tpu.memory_space<vmem>>, vector<16xf32>,
        tpu.vector_store %arg7[%swap3A_985, %swap3A_986, %swap3A_987, %swap3A_988, %swap3A_989], %gather3A_894 {strides = array<i32>} : memref<2x4x4x8x128xf32, #tpu.memory_space<vmem>>, vector<16xf32>,
        %gather3A_991 = arith.constant 15360 : i32
        %gather3A_992 = tpu.memref_slice %arg5[%gather3A_991] : memref<32768xf32, #tpu.memory_space<vmem>> -> memref<1024xf32, #tpu.memory_space<vmem>>
        %gather3A_993 = tpu.vector_load_idx %gather3A_992[%add3A_825] : memref<1024xf32, #tpu.memory_space<vmem>>[vector<16xi32>], vector<16xf32>,
        %swap3A_994 = arith.constant 0 : i32
        %swap3A_995 = arith.constant 7 : i32
        %swap3A_996 = arith.index_cast %select_n3A_232 : i32 to index
        %swap3A_997 = arith.index_cast %swap3A_994 : i32 to index
        %swap3A_998 = arith.index_cast %select_n3A_797 : i32 to index
        %swap3A_999 = arith.index_cast %swap3A_995 : i32 to index
        %swap3A_1000 = arith.index_cast %mul3A_815 : i32 to index
        %swap3A_1001 = tpu.vector_load %arg7[%swap3A_996, %swap3A_997, %swap3A_998, %swap3A_999, %swap3A_1000] {strides = array<i32>} : memref<2x4x4x8x128xf32, #tpu.memory_space<vmem>>, vector<16xf32>,
        tpu.vector_store %arg7[%swap3A_996, %swap3A_997, %swap3A_998, %swap3A_999, %swap3A_1000], %gather3A_905 {strides = array<i32>} : memref<2x4x4x8x128xf32, #tpu.memory_space<vmem>>, vector<16xf32>,
        %gather3A_1002 = arith.constant 16384 : i32
        %gather3A_1003 = tpu.memref_slice %arg5[%gather3A_1002] : memref<32768xf32, #tpu.memory_space<vmem>> -> memref<1024xf32, #tpu.memory_space<vmem>>
        %gather3A_1004 = tpu.vector_load_idx %gather3A_1003[%add3A_825] : memref<1024xf32, #tpu.memory_space<vmem>>[vector<16xi32>], vector<16xf32>,
        %swap3A_1005 = arith.constant 1 : i32
        %swap3A_1006 = arith.constant 0 : i32
        %swap3A_1007 = arith.index_cast %select_n3A_232 : i32 to index
        %swap3A_1008 = arith.index_cast %swap3A_1005 : i32 to index
        %swap3A_1009 = arith.index_cast %select_n3A_797 : i32 to index
        %swap3A_1010 = arith.index_cast %swap3A_1006 : i32 to index
        %swap3A_1011 = arith.index_cast %mul3A_815 : i32 to index
        %swap3A_1012 = tpu.vector_load %arg7[%swap3A_1007, %swap3A_1008, %swap3A_1009, %swap3A_1010, %swap3A_1011] {strides = array<i32>} : memref<2x4x4x8x128xf32, #tpu.memory_space<vmem>>, vector<16xf32>,
        tpu.vector_store %arg7[%swap3A_1007, %swap3A_1008, %swap3A_1009, %swap3A_1010, %swap3A_1011], %gather3A_916 {strides = array<i32>} : memref<2x4x4x8x128xf32, #tpu.memory_space<vmem>>, vector<16xf32>,
        %gather3A_1013 = arith.constant 17408 : i32
        %gather3A_1014 = tpu.memref_slice %arg5[%gather3A_1013] : memref<32768xf32, #tpu.memory_space<vmem>> -> memref<1024xf32, #tpu.memory_space<vmem>>
        %gather3A_1015 = tpu.vector_load_idx %gather3A_1014[%add3A_825] : memref<1024xf32, #tpu.memory_space<vmem>>[vector<16xi32>], vector<16xf32>,
        %swap3A_1016 = arith.constant 1 : i32
        %swap3A_1017 = arith.constant 1 : i32
        %swap3A_1018 = arith.index_cast %select_n3A_232 : i32 to index
        %swap3A_1019 = arith.index_cast %swap3A_1016 : i32 to index
        %swap3A_1020 = arith.index_cast %select_n3A_797 : i32 to index
        %swap3A_1021 = arith.index_cast %swap3A_1017 : i32 to index
        %swap3A_1022 = arith.index_cast %mul3A_815 : i32 to index
        %swap3A_1023 = tpu.vector_load %arg7[%swap3A_1018, %swap3A_1019, %swap3A_1020, %swap3A_1021, %swap3A_1022] {strides = array<i32>} : memref<2x4x4x8x128xf32, #tpu.memory_space<vmem>>, vector<16xf32>,
        tpu.vector_store %arg7[%swap3A_1018, %swap3A_1019, %swap3A_1020, %swap3A_1021, %swap3A_1022], %gather3A_927 {strides = array<i32>} : memref<2x4x4x8x128xf32, #tpu.memory_space<vmem>>, vector<16xf32>,
        %gather3A_1024 = arith.constant 18432 : i32
        %gather3A_1025 = tpu.memref_slice %arg5[%gather3A_1024] : memref<32768xf32, #tpu.memory_space<vmem>> -> memref<1024xf32, #tpu.memory_space<vmem>>
        %gather3A_1026 = tpu.vector_load_idx %gather3A_1025[%add3A_825] : memref<1024xf32, #tpu.memory_space<vmem>>[vector<16xi32>], vector<16xf32>,
        %swap3A_1027 = arith.constant 1 : i32
        %swap3A_1028 = arith.constant 2 : i32
        %swap3A_1029 = arith.index_cast %select_n3A_232 : i32 to index
        %swap3A_1030 = arith.index_cast %swap3A_1027 : i32 to index
        %swap3A_1031 = arith.index_cast %select_n3A_797 : i32 to index
        %swap3A_1032 = arith.index_cast %swap3A_1028 : i32 to index
        %swap3A_1033 = arith.index_cast %mul3A_815 : i32 to index
        %swap3A_1034 = tpu.vector_load %arg7[%swap3A_1029, %swap3A_1030, %swap3A_1031, %swap3A_1032, %swap3A_1033] {strides = array<i32>} : memref<2x4x4x8x128xf32, #tpu.memory_space<vmem>>, vector<16xf32>,
        tpu.vector_store %arg7[%swap3A_1029, %swap3A_1030, %swap3A_1031, %swap3A_1032, %swap3A_1033], %gather3A_938 {strides = array<i32>} : memref<2x4x4x8x128xf32, #tpu.memory_space<vmem>>, vector<16xf32>,
        %gather3A_1035 = arith.constant 19456 : i32
        %gather3A_1036 = tpu.memref_slice %arg5[%gather3A_1035] : memref<32768xf32, #tpu.memory_space<vmem>> -> memref<1024xf32, #tpu.memory_space<vmem>>
        %gather3A_1037 = tpu.vector_load_idx %gather3A_1036[%add3A_825] : memref<1024xf32, #tpu.memory_space<vmem>>[vector<16xi32>], vector<16xf32>,
        %swap3A_1038 = arith.constant 1 : i32
        %swap3A_1039 = arith.constant 3 : i32
        %swap3A_1040 = arith.index_cast %select_n3A_232 : i32 to index
        %swap3A_1041 = arith.index_cast %swap3A_1038 : i32 to index
        %swap3A_1042 = arith.index_cast %select_n3A_797 : i32 to index
        %swap3A_1043 = arith.index_cast %swap3A_1039 : i32 to index
        %swap3A_1044 = arith.index_cast %mul3A_815 : i32 to index
        %swap3A_1045 = tpu.vector_load %arg7[%swap3A_1040, %swap3A_1041, %swap3A_1042, %swap3A_1043, %swap3A_1044] {strides = array<i32>} : memref<2x4x4x8x128xf32, #tpu.memory_space<vmem>>, vector<16xf32>,
        tpu.vector_store %arg7[%swap3A_1040, %swap3A_1041, %swap3A_1042, %swap3A_1043, %swap3A_1044], %gather3A_949 {strides = array<i32>} : memref<2x4x4x8x128xf32, #tpu.memory_space<vmem>>, vector<16xf32>,
        %gather3A_1046 = arith.constant 20480 : i32
        %gather3A_1047 = tpu.memref_slice %arg5[%gather3A_1046] : memref<32768xf32, #tpu.memory_space<vmem>> -> memref<1024xf32, #tpu.memory_space<vmem>>
        %gather3A_1048 = tpu.vector_load_idx %gather3A_1047[%add3A_825] : memref<1024xf32, #tpu.memory_space<vmem>>[vector<16xi32>], vector<16xf32>,
        %swap3A_1049 = arith.constant 1 : i32
        %swap3A_1050 = arith.constant 4 : i32
        %swap3A_1051 = arith.index_cast %select_n3A_232 : i32 to index
        %swap3A_1052 = arith.index_cast %swap3A_1049 : i32 to index
        %swap3A_1053 = arith.index_cast %select_n3A_797 : i32 to index
        %swap3A_1054 = arith.index_cast %swap3A_1050 : i32 to index
        %swap3A_1055 = arith.index_cast %mul3A_815 : i32 to index
        %swap3A_1056 = tpu.vector_load %arg7[%swap3A_1051, %swap3A_1052, %swap3A_1053, %swap3A_1054, %swap3A_1055] {strides = array<i32>} : memref<2x4x4x8x128xf32, #tpu.memory_space<vmem>>, vector<16xf32>,
        tpu.vector_store %arg7[%swap3A_1051, %swap3A_1052, %swap3A_1053, %swap3A_1054, %swap3A_1055], %gather3A_960 {strides = array<i32>} : memref<2x4x4x8x128xf32, #tpu.memory_space<vmem>>, vector<16xf32>,
        %gather3A_1057 = arith.constant 21504 : i32
        %gather3A_1058 = tpu.memref_slice %arg5[%gather3A_1057] : memref<32768xf32, #tpu.memory_space<vmem>> -> memref<1024xf32, #tpu.memory_space<vmem>>
        %gather3A_1059 = tpu.vector_load_idx %gather3A_1058[%add3A_825] : memref<1024xf32, #tpu.memory_space<vmem>>[vector<16xi32>], vector<16xf32>,
        %swap3A_1060 = arith.constant 1 : i32
        %swap3A_1061 = arith.constant 5 : i32
        %swap3A_1062 = arith.index_cast %select_n3A_232 : i32 to index
        %swap3A_1063 = arith.index_cast %swap3A_1060 : i32 to index
        %swap3A_1064 = arith.index_cast %select_n3A_797 : i32 to index
        %swap3A_1065 = arith.index_cast %swap3A_1061 : i32 to index
        %swap3A_1066 = arith.index_cast %mul3A_815 : i32 to index
        %swap3A_1067 = tpu.vector_load %arg7[%swap3A_1062, %swap3A_1063, %swap3A_1064, %swap3A_1065, %swap3A_1066] {strides = array<i32>} : memref<2x4x4x8x128xf32, #tpu.memory_space<vmem>>, vector<16xf32>,
        tpu.vector_store %arg7[%swap3A_1062, %swap3A_1063, %swap3A_1064, %swap3A_1065, %swap3A_1066], %gather3A_971 {strides = array<i32>} : memref<2x4x4x8x128xf32, #tpu.memory_space<vmem>>, vector<16xf32>,
        %gather3A_1068 = arith.constant 22528 : i32
        %gather3A_1069 = tpu.memref_slice %arg5[%gather3A_1068] : memref<32768xf32, #tpu.memory_space<vmem>> -> memref<1024xf32, #tpu.memory_space<vmem>>
        %gather3A_1070 = tpu.vector_load_idx %gather3A_1069[%add3A_825] : memref<1024xf32, #tpu.memory_space<vmem>>[vector<16xi32>], vector<16xf32>,
        %swap3A_1071 = arith.constant 1 : i32
        %swap3A_1072 = arith.constant 6 : i32
        %swap3A_1073 = arith.index_cast %select_n3A_232 : i32 to index
        %swap3A_1074 = arith.index_cast %swap3A_1071 : i32 to index
        %swap3A_1075 = arith.index_cast %select_n3A_797 : i32 to index
        %swap3A_1076 = arith.index_cast %swap3A_1072 : i32 to index
        %swap3A_1077 = arith.index_cast %mul3A_815 : i32 to index
        %swap3A_1078 = tpu.vector_load %arg7[%swap3A_1073, %swap3A_1074, %swap3A_1075, %swap3A_1076, %swap3A_1077] {strides = array<i32>} : memref<2x4x4x8x128xf32, #tpu.memory_space<vmem>>, vector<16xf32>,
        tpu.vector_store %arg7[%swap3A_1073, %swap3A_1074, %swap3A_1075, %swap3A_1076, %swap3A_1077], %gather3A_982 {strides = array<i32>} : memref<2x4x4x8x128xf32, #tpu.memory_space<vmem>>, vector<16xf32>,
        %gather3A_1079 = arith.constant 23552 : i32
        %gather3A_1080 = tpu.memref_slice %arg5[%gather3A_1079] : memref<32768xf32, #tpu.memory_space<vmem>> -> memref<1024xf32, #tpu.memory_space<vmem>>
        %gather3A_1081 = tpu.vector_load_idx %gather3A_1080[%add3A_825] : memref<1024xf32, #tpu.memory_space<vmem>>[vector<16xi32>], vector<16xf32>,
        %swap3A_1082 = arith.constant 1 : i32
        %swap3A_1083 = arith.constant 7 : i32
        %swap3A_1084 = arith.index_cast %select_n3A_232 : i32 to index
        %swap3A_1085 = arith.index_cast %swap3A_1082 : i32 to index
        %swap3A_1086 = arith.index_cast %select_n3A_797 : i32 to index
        %swap3A_1087 = arith.index_cast %swap3A_1083 : i32 to index
        %swap3A_1088 = arith.index_cast %mul3A_815 : i32 to index
        %swap3A_1089 = tpu.vector_load %arg7[%swap3A_1084, %swap3A_1085, %swap3A_1086, %swap3A_1087, %swap3A_1088] {strides = array<i32>} : memref<2x4x4x8x128xf32, #tpu.memory_space<vmem>>, vector<16xf32>,
        tpu.vector_store %arg7[%swap3A_1084, %swap3A_1085, %swap3A_1086, %swap3A_1087, %swap3A_1088], %gather3A_993 {strides = array<i32>} : memref<2x4x4x8x128xf32, #tpu.memory_space<vmem>>, vector<16xf32>,
        %gather3A_1090 = arith.constant 24576 : i32
        %gather3A_1091 = tpu.memref_slice %arg5[%gather3A_1090] : memref<32768xf32, #tpu.memory_space<vmem>> -> memref<1024xf32, #tpu.memory_space<vmem>>
        %gather3A_1092 = tpu.vector_load_idx %gather3A_1091[%add3A_825] : memref<1024xf32, #tpu.memory_space<vmem>>[vector<16xi32>], vector<16xf32>,
        %swap3A_1093 = arith.constant 2 : i32
        %swap3A_1094 = arith.constant 0 : i32
        %swap3A_1095 = arith.index_cast %select_n3A_232 : i32 to index
        %swap3A_1096 = arith.index_cast %swap3A_1093 : i32 to index
        %swap3A_1097 = arith.index_cast %select_n3A_797 : i32 to index
        %swap3A_1098 = arith.index_cast %swap3A_1094 : i32 to index
        %swap3A_1099 = arith.index_cast %mul3A_815 : i32 to index
        %swap3A_1100 = tpu.vector_load %arg7[%swap3A_1095, %swap3A_1096, %swap3A_1097, %swap3A_1098, %swap3A_1099] {strides = array<i32>} : memref<2x4x4x8x128xf32, #tpu.memory_space<vmem>>, vector<16xf32>,
        tpu.vector_store %arg7[%swap3A_1095, %swap3A_1096, %swap3A_1097, %swap3A_1098, %swap3A_1099], %gather3A_1004 {strides = array<i32>} : memref<2x4x4x8x128xf32, #tpu.memory_space<vmem>>, vector<16xf32>,
        %gather3A_1101 = arith.constant 25600 : i32
        %gather3A_1102 = tpu.memref_slice %arg5[%gather3A_1101] : memref<32768xf32, #tpu.memory_space<vmem>> -> memref<1024xf32, #tpu.memory_space<vmem>>
        %gather3A_1103 = tpu.vector_load_idx %gather3A_1102[%add3A_825] : memref<1024xf32, #tpu.memory_space<vmem>>[vector<16xi32>], vector<16xf32>,
        %swap3A_1104 = arith.constant 2 : i32
        %swap3A_1105 = arith.constant 1 : i32
        %swap3A_1106 = arith.index_cast %select_n3A_232 : i32 to index
        %swap3A_1107 = arith.index_cast %swap3A_1104 : i32 to index
        %swap3A_1108 = arith.index_cast %select_n3A_797 : i32 to index
        %swap3A_1109 = arith.index_cast %swap3A_1105 : i32 to index
        %swap3A_1110 = arith.index_cast %mul3A_815 : i32 to index
        %swap3A_1111 = tpu.vector_load %arg7[%swap3A_1106, %swap3A_1107, %swap3A_1108, %swap3A_1109, %swap3A_1110] {strides = array<i32>} : memref<2x4x4x8x128xf32, #tpu.memory_space<vmem>>, vector<16xf32>,
        tpu.vector_store %arg7[%swap3A_1106, %swap3A_1107, %swap3A_1108, %swap3A_1109, %swap3A_1110], %gather3A_1015 {strides = array<i32>} : memref<2x4x4x8x128xf32, #tpu.memory_space<vmem>>, vector<16xf32>,
        %gather3A_1112 = arith.constant 26624 : i32
        %gather3A_1113 = tpu.memref_slice %arg5[%gather3A_1112] : memref<32768xf32, #tpu.memory_space<vmem>> -> memref<1024xf32, #tpu.memory_space<vmem>>
        %gather3A_1114 = tpu.vector_load_idx %gather3A_1113[%add3A_825] : memref<1024xf32, #tpu.memory_space<vmem>>[vector<16xi32>], vector<16xf32>,
        %swap3A_1115 = arith.constant 2 : i32
        %swap3A_1116 = arith.constant 2 : i32
        %swap3A_1117 = arith.index_cast %select_n3A_232 : i32 to index
        %swap3A_1118 = arith.index_cast %swap3A_1115 : i32 to index
        %swap3A_1119 = arith.index_cast %select_n3A_797 : i32 to index
        %swap3A_1120 = arith.index_cast %swap3A_1116 : i32 to index
        %swap3A_1121 = arith.index_cast %mul3A_815 : i32 to index
        %swap3A_1122 = tpu.vector_load %arg7[%swap3A_1117, %swap3A_1118, %swap3A_1119, %swap3A_1120, %swap3A_1121] {strides = array<i32>} : memref<2x4x4x8x128xf32, #tpu.memory_space<vmem>>, vector<16xf32>,
        tpu.vector_store %arg7[%swap3A_1117, %swap3A_1118, %swap3A_1119, %swap3A_1120, %swap3A_1121], %gather3A_1026 {strides = array<i32>} : memref<2x4x4x8x128xf32, #tpu.memory_space<vmem>>, vector<16xf32>,
        %gather3A_1123 = arith.constant 27648 : i32
        %gather3A_1124 = tpu.memref_slice %arg5[%gather3A_1123] : memref<32768xf32, #tpu.memory_space<vmem>> -> memref<1024xf32, #tpu.memory_space<vmem>>
        %gather3A_1125 = tpu.vector_load_idx %gather3A_1124[%add3A_825] : memref<1024xf32, #tpu.memory_space<vmem>>[vector<16xi32>], vector<16xf32>,
        %swap3A_1126 = arith.constant 2 : i32
        %swap3A_1127 = arith.constant 3 : i32
        %swap3A_1128 = arith.index_cast %select_n3A_232 : i32 to index
        %swap3A_1129 = arith.index_cast %swap3A_1126 : i32 to index
        %swap3A_1130 = arith.index_cast %select_n3A_797 : i32 to index
        %swap3A_1131 = arith.index_cast %swap3A_1127 : i32 to index
        %swap3A_1132 = arith.index_cast %mul3A_815 : i32 to index
        %swap3A_1133 = tpu.vector_load %arg7[%swap3A_1128, %swap3A_1129, %swap3A_1130, %swap3A_1131, %swap3A_1132] {strides = array<i32>} : memref<2x4x4x8x128xf32, #tpu.memory_space<vmem>>, vector<16xf32>,
        tpu.vector_store %arg7[%swap3A_1128, %swap3A_1129, %swap3A_1130, %swap3A_1131, %swap3A_1132], %gather3A_1037 {strides = array<i32>} : memref<2x4x4x8x128xf32, #tpu.memory_space<vmem>>, vector<16xf32>,
        %gather3A_1134 = arith.constant 28672 : i32
        %gather3A_1135 = tpu.memref_slice %arg5[%gather3A_1134] : memref<32768xf32, #tpu.memory_space<vmem>> -> memref<1024xf32, #tpu.memory_space<vmem>>
        %gather3A_1136 = tpu.vector_load_idx %gather3A_1135[%add3A_825] : memref<1024xf32, #tpu.memory_space<vmem>>[vector<16xi32>], vector<16xf32>,
        %swap3A_1137 = arith.constant 2 : i32
        %swap3A_1138 = arith.constant 4 : i32
        %swap3A_1139 = arith.index_cast %select_n3A_232 : i32 to index
        %swap3A_1140 = arith.index_cast %swap3A_1137 : i32 to index
        %swap3A_1141 = arith.index_cast %select_n3A_797 : i32 to index
        %swap3A_1142 = arith.index_cast %swap3A_1138 : i32 to index
        %swap3A_1143 = arith.index_cast %mul3A_815 : i32 to index
        %swap3A_1144 = tpu.vector_load %arg7[%swap3A_1139, %swap3A_1140, %swap3A_1141, %swap3A_1142, %swap3A_1143] {strides = array<i32>} : memref<2x4x4x8x128xf32, #tpu.memory_space<vmem>>, vector<16xf32>,
        tpu.vector_store %arg7[%swap3A_1139, %swap3A_1140, %swap3A_1141, %swap3A_1142, %swap3A_1143], %gather3A_1048 {strides = array<i32>} : memref<2x4x4x8x128xf32, #tpu.memory_space<vmem>>, vector<16xf32>,
        %gather3A_1145 = arith.constant 29696 : i32
        %gather3A_1146 = tpu.memref_slice %arg5[%gather3A_1145] : memref<32768xf32, #tpu.memory_space<vmem>> -> memref<1024xf32, #tpu.memory_space<vmem>>
        %gather3A_1147 = tpu.vector_load_idx %gather3A_1146[%add3A_825] : memref<1024xf32, #tpu.memory_space<vmem>>[vector<16xi32>], vector<16xf32>,
        %swap3A_1148 = arith.constant 2 : i32
        %swap3A_1149 = arith.constant 5 : i32
        %swap3A_1150 = arith.index_cast %select_n3A_232 : i32 to index
        %swap3A_1151 = arith.index_cast %swap3A_1148 : i32 to index
        %swap3A_1152 = arith.index_cast %select_n3A_797 : i32 to index
        %swap3A_1153 = arith.index_cast %swap3A_1149 : i32 to index
        %swap3A_1154 = arith.index_cast %mul3A_815 : i32 to index
        %swap3A_1155 = tpu.vector_load %arg7[%swap3A_1150, %swap3A_1151, %swap3A_1152, %swap3A_1153, %swap3A_1154] {strides = array<i32>} : memref<2x4x4x8x128xf32, #tpu.memory_space<vmem>>, vector<16xf32>,
        tpu.vector_store %arg7[%swap3A_1150, %swap3A_1151, %swap3A_1152, %swap3A_1153, %swap3A_1154], %gather3A_1059 {strides = array<i32>} : memref<2x4x4x8x128xf32, #tpu.memory_space<vmem>>, vector<16xf32>,
        %gather3A_1156 = arith.constant 30720 : i32
        %gather3A_1157 = tpu.memref_slice %arg5[%gather3A_1156] : memref<32768xf32, #tpu.memory_space<vmem>> -> memref<1024xf32, #tpu.memory_space<vmem>>
        %gather3A_1158 = tpu.vector_load_idx %gather3A_1157[%add3A_825] : memref<1024xf32, #tpu.memory_space<vmem>>[vector<16xi32>], vector<16xf32>,
        %swap3A_1159 = arith.constant 2 : i32
        %swap3A_1160 = arith.constant 6 : i32
        %swap3A_1161 = arith.index_cast %select_n3A_232 : i32 to index
        %swap3A_1162 = arith.index_cast %swap3A_1159 : i32 to index
        %swap3A_1163 = arith.index_cast %select_n3A_797 : i32 to index
        %swap3A_1164 = arith.index_cast %swap3A_1160 : i32 to index
        %swap3A_1165 = arith.index_cast %mul3A_815 : i32 to index
        %swap3A_1166 = tpu.vector_load %arg7[%swap3A_1161, %swap3A_1162, %swap3A_1163, %swap3A_1164, %swap3A_1165] {strides = array<i32>} : memref<2x4x4x8x128xf32, #tpu.memory_space<vmem>>, vector<16xf32>,
        tpu.vector_store %arg7[%swap3A_1161, %swap3A_1162, %swap3A_1163, %swap3A_1164, %swap3A_1165], %gather3A_1070 {strides = array<i32>} : memref<2x4x4x8x128xf32, #tpu.memory_space<vmem>>, vector<16xf32>,
        %gather3A_1167 = arith.constant 31744 : i32
        %gather3A_1168 = tpu.memref_slice %arg5[%gather3A_1167] : memref<32768xf32, #tpu.memory_space<vmem>> -> memref<1024xf32, #tpu.memory_space<vmem>>
        %gather3A_1169 = tpu.vector_load_idx %gather3A_1168[%add3A_825] : memref<1024xf32, #tpu.memory_space<vmem>>[vector<16xi32>], vector<16xf32>,
        %swap3A_1170 = arith.constant 2 : i32
        %swap3A_1171 = arith.constant 7 : i32
        %swap3A_1172 = arith.index_cast %select_n3A_232 : i32 to index
        %swap3A_1173 = arith.index_cast %swap3A_1170 : i32 to index
        %swap3A_1174 = arith.index_cast %select_n3A_797 : i32 to index
        %swap3A_1175 = arith.index_cast %swap3A_1171 : i32 to index
        %swap3A_1176 = arith.index_cast %mul3A_815 : i32 to index
        %swap3A_1177 = tpu.vector_load %arg7[%swap3A_1172, %swap3A_1173, %swap3A_1174, %swap3A_1175, %swap3A_1176] {strides = array<i32>} : memref<2x4x4x8x128xf32, #tpu.memory_space<vmem>>, vector<16xf32>,
        tpu.vector_store %arg7[%swap3A_1172, %swap3A_1173, %swap3A_1174, %swap3A_1175, %swap3A_1176], %gather3A_1081 {strides = array<i32>} : memref<2x4x4x8x128xf32, #tpu.memory_space<vmem>>, vector<16xf32>,
        scf.yield %gather3A_1092, %gather3A_1103, %gather3A_1114, %gather3A_1125, %gather3A_1136, %gather3A_1147, %gather3A_1158, %gather3A_1169 : vector<16xf32>, vector<16xf32>, vector<16xf32>, vector<16xf32>, vector<16xf32>, vector<16xf32>, vector<16xf32>, vector<16xf32>
      }
      %scan3A_556 = arith.constant 31 : i32
      %swap3A_557 = arith.constant 3 : i32
      %swap3A_558 = arith.constant 3 : i32
      %swap3A_559 = arith.constant 0 : i32
      %swap3A_560 = arith.index_cast %select_n3A_232 : i32 to index
      %swap3A_561 = arith.index_cast %swap3A_557 : i32 to index
      %swap3A_562 = arith.index_cast %swap3A_558 : i32 to index
      %swap3A_563 = arith.index_cast %swap3A_559 : i32 to index
      %swap3A_564 = arith.constant 112 : index
      %swap3A_565 = tpu.vector_load %arg7[%swap3A_560, %swap3A_561, %swap3A_562, %swap3A_563, %swap3A_564] {strides = array<i32>} : memref<2x4x4x8x128xf32, #tpu.memory_space<vmem>>, vector<16xf32>,
      tpu.vector_store %arg7[%swap3A_560, %swap3A_561, %swap3A_562, %swap3A_563, %swap3A_564], %scan3A_555#0 {strides = array<i32>} : memref<2x4x4x8x128xf32, #tpu.memory_space<vmem>>, vector<16xf32>,
      %swap3A_566 = arith.constant 3 : i32
      %swap3A_567 = arith.constant 3 : i32
      %swap3A_568 = arith.constant 1 : i32
      %swap3A_569 = arith.index_cast %select_n3A_232 : i32 to index
      %swap3A_570 = arith.index_cast %swap3A_566 : i32 to index
      %swap3A_571 = arith.index_cast %swap3A_567 : i32 to index
      %swap3A_572 = arith.index_cast %swap3A_568 : i32 to index
      %swap3A_573 = arith.constant 112 : index
      %swap3A_574 = tpu.vector_load %arg7[%swap3A_569, %swap3A_570, %swap3A_571, %swap3A_572, %swap3A_573] {strides = array<i32>} : memref<2x4x4x8x128xf32, #tpu.memory_space<vmem>>, vector<16xf32>,
      tpu.vector_store %arg7[%swap3A_569, %swap3A_570, %swap3A_571, %swap3A_572, %swap3A_573], %scan3A_555#1 {strides = array<i32>} : memref<2x4x4x8x128xf32, #tpu.memory_space<vmem>>, vector<16xf32>,
      %swap3A_575 = arith.constant 3 : i32
      %swap3A_576 = arith.constant 3 : i32
      %swap3A_577 = arith.constant 2 : i32
      %swap3A_578 = arith.index_cast %select_n3A_232 : i32 to index
      %swap3A_579 = arith.index_cast %swap3A_575 : i32 to index
      %swap3A_580 = arith.index_cast %swap3A_576 : i32 to index
      %swap3A_581 = arith.index_cast %swap3A_577 : i32 to index
      %swap3A_582 = arith.constant 112 : index
      %swap3A_583 = tpu.vector_load %arg7[%swap3A_578, %swap3A_579, %swap3A_580, %swap3A_581, %swap3A_582] {strides = array<i32>} : memref<2x4x4x8x128xf32, #tpu.memory_space<vmem>>, vector<16xf32>,
      tpu.vector_store %arg7[%swap3A_578, %swap3A_579, %swap3A_580, %swap3A_581, %swap3A_582], %scan3A_555#2 {strides = array<i32>} : memref<2x4x4x8x128xf32, #tpu.memory_space<vmem>>, vector<16xf32>,
      %swap3A_584 = arith.constant 3 : i32
      %swap3A_585 = arith.constant 3 : i32
      %swap3A_586 = arith.constant 3 : i32
      %swap3A_587 = arith.index_cast %select_n3A_232 : i32 to index
      %swap3A_588 = arith.index_cast %swap3A_584 : i32 to index
      %swap3A_589 = arith.index_cast %swap3A_585 : i32 to index
      %swap3A_590 = arith.index_cast %swap3A_586 : i32 to index
      %swap3A_591 = arith.constant 112 : index
      %swap3A_592 = tpu.vector_load %arg7[%swap3A_587, %swap3A_588, %swap3A_589, %swap3A_590, %swap3A_591] {strides = array<i32>} : memref<2x4x4x8x128xf32, #tpu.memory_space<vmem>>, vector<16xf32>,
      tpu.vector_store %arg7[%swap3A_587, %swap3A_588, %swap3A_589, %swap3A_590, %swap3A_591], %scan3A_555#3 {strides = array<i32>} : memref<2x4x4x8x128xf32, #tpu.memory_space<vmem>>, vector<16xf32>,
      %swap3A_593 = arith.constant 3 : i32
      %swap3A_594 = arith.constant 3 : i32
      %swap3A_595 = arith.constant 4 : i32
      %swap3A_596 = arith.index_cast %select_n3A_232 : i32 to index
      %swap3A_597 = arith.index_cast %swap3A_593 : i32 to index
      %swap3A_598 = arith.index_cast %swap3A_594 : i32 to index
      %swap3A_599 = arith.index_cast %swap3A_595 : i32 to index
      %swap3A_600 = arith.constant 112 : index
      %swap3A_601 = tpu.vector_load %arg7[%swap3A_596, %swap3A_597, %swap3A_598, %swap3A_599, %swap3A_600] {strides = array<i32>} : memref<2x4x4x8x128xf32, #tpu.memory_space<vmem>>, vector<16xf32>,
      tpu.vector_store %arg7[%swap3A_596, %swap3A_597, %swap3A_598, %swap3A_599, %swap3A_600], %scan3A_555#4 {strides = array<i32>} : memref<2x4x4x8x128xf32, #tpu.memory_space<vmem>>, vector<16xf32>,
      %swap3A_602 = arith.constant 3 : i32
      %swap3A_603 = arith.constant 3 : i32
      %swap3A_604 = arith.constant 5 : i32
      %swap3A_605 = arith.index_cast %select_n3A_232 : i32 to index
      %swap3A_606 = arith.index_cast %swap3A_602 : i32 to index
      %swap3A_607 = arith.index_cast %swap3A_603 : i32 to index
      %swap3A_608 = arith.index_cast %swap3A_604 : i32 to index
      %swap3A_609 = arith.constant 112 : index
      %swap3A_610 = tpu.vector_load %arg7[%swap3A_605, %swap3A_606, %swap3A_607, %swap3A_608, %swap3A_609] {strides = array<i32>} : memref<2x4x4x8x128xf32, #tpu.memory_space<vmem>>, vector<16xf32>,
      tpu.vector_store %arg7[%swap3A_605, %swap3A_606, %swap3A_607, %swap3A_608, %swap3A_609], %scan3A_555#5 {strides = array<i32>} : memref<2x4x4x8x128xf32, #tpu.memory_space<vmem>>, vector<16xf32>,
      %swap3A_611 = arith.constant 3 : i32
      %swap3A_612 = arith.constant 3 : i32
      %swap3A_613 = arith.constant 6 : i32
      %swap3A_614 = arith.index_cast %select_n3A_232 : i32 to index
      %swap3A_615 = arith.index_cast %swap3A_611 : i32 to index
      %swap3A_616 = arith.index_cast %swap3A_612 : i32 to index
      %swap3A_617 = arith.index_cast %swap3A_613 : i32 to index
      %swap3A_618 = arith.constant 112 : index
      %swap3A_619 = tpu.vector_load %arg7[%swap3A_614, %swap3A_615, %swap3A_616, %swap3A_617, %swap3A_618] {strides = array<i32>} : memref<2x4x4x8x128xf32, #tpu.memory_space<vmem>>, vector<16xf32>,
      tpu.vector_store %arg7[%swap3A_614, %swap3A_615, %swap3A_616, %swap3A_617, %swap3A_618], %scan3A_555#6 {strides = array<i32>} : memref<2x4x4x8x128xf32, #tpu.memory_space<vmem>>, vector<16xf32>,
      %swap3A_620 = arith.constant 3 : i32
      %swap3A_621 = arith.constant 3 : i32
      %swap3A_622 = arith.constant 7 : i32
      %swap3A_623 = arith.index_cast %select_n3A_232 : i32 to index
      %swap3A_624 = arith.index_cast %swap3A_620 : i32 to index
      %swap3A_625 = arith.index_cast %swap3A_621 : i32 to index
      %swap3A_626 = arith.index_cast %swap3A_622 : i32 to index
      %swap3A_627 = arith.constant 112 : index
      %swap3A_628 = tpu.vector_load %arg7[%swap3A_623, %swap3A_624, %swap3A_625, %swap3A_626, %swap3A_627] {strides = array<i32>} : memref<2x4x4x8x128xf32, #tpu.memory_space<vmem>>, vector<16xf32>,
      tpu.vector_store %arg7[%swap3A_623, %swap3A_624, %swap3A_625, %swap3A_626, %swap3A_627], %scan3A_555#7 {strides = array<i32>} : memref<2x4x4x8x128xf32, #tpu.memory_space<vmem>>, vector<16xf32>,
      %mul3A_629 = arith.constant 4 : i32
      %mul3A_630 = arith.muli %add3A, %mul3A_629 : i32
      %dma_start3A = arith.constant 0 : i32
      %dma_start3A_631 = arith.constant 0 : i32
      %dma_start3A_632 = arith.constant 0 : i32
      %dma_start3A_633 = arith.constant 0 : i32
      %dma_start3A_634 = arith.constant 0 : i32
      %dma_start3A_635 = tpu.memref_slice %arg7[%select_n3A_232, %dma_start3A, %dma_start3A_632, %dma_start3A_633, %dma_start3A_634] : memref<2x4x4x8x128xf32, #tpu.memory_space<vmem>> -> memref<1x1x4x8x128xf32, #tpu.memory_space<vmem>>
      %dma_start3A_636 = tpu.memref_squeeze %dma_start3A_635 : memref<1x1x4x8x128xf32, #tpu.memory_space<vmem>> -> memref<4x8x128xf32, #tpu.memory_space<vmem>>
      %dma_start3A_637 = arith.constant 0 : i32
      %dma_start3A_638 = arith.constant 0 : i32
      %dma_start3A_639 = tpu.memref_slice %arg4[%scan3A_223, %dma_start3A_631, %mul3A_630, %dma_start3A_637, %dma_start3A_638] : memref<20x4x128x8x128xf32, #tpu.memory_space<hbm>> -> memref<1x1x4x8x128xf32, #tpu.memory_space<hbm>>
      %dma_start3A_640 = tpu.memref_squeeze %dma_start3A_639 : memref<1x1x4x8x128xf32, #tpu.memory_space<hbm>> -> memref<4x8x128xf32, #tpu.memory_space<hbm>>
      %dma_start3A_641 = tpu.memref_slice %arg8[%select_n3A_232] : memref<2x!tpu.dma_semaphore, #tpu.memory_space<semaphore_mem>> -> memref<1x!tpu.dma_semaphore, #tpu.memory_space<semaphore_mem>>
      %dma_start3A_642 = tpu.memref_squeeze %dma_start3A_641 : memref<1x!tpu.dma_semaphore, #tpu.memory_space<semaphore_mem>> -> memref<!tpu.dma_semaphore, #tpu.memory_space<semaphore_mem>>
      %dma_start3A_643 = arith.constant 0 : i32
      %dma_start3A_644 = arith.constant 0 : i32
      %dma_start3A_645 = tpu.memref_slice %arg4[%scan3A_223, %dma_start3A_631, %mul3A_630, %dma_start3A_643, %dma_start3A_644] : memref<20x4x128x8x128xf32, #tpu.memory_space<hbm>> -> memref<1x1x4x8x128xf32, #tpu.memory_space<hbm>>
      %dma_start3A_646 = tpu.memref_squeeze %dma_start3A_645 : memref<1x1x4x8x128xf32, #tpu.memory_space<hbm>> -> memref<4x8x128xf32, #tpu.memory_space<hbm>>
      %dma_start3A_647 = arith.constant 0 : i32
      %dma_start3A_648 = arith.constant 0 : i32
      %dma_start3A_649 = arith.constant 0 : i32
      %dma_start3A_650 = tpu.memref_slice %arg7[%select_n3A_232, %dma_start3A, %dma_start3A_647, %dma_start3A_648, %dma_start3A_649] : memref<2x4x4x8x128xf32, #tpu.memory_space<vmem>> -> memref<1x1x4x8x128xf32, #tpu.memory_space<vmem>>
      %dma_start3A_651 = tpu.memref_squeeze %dma_start3A_650 : memref<1x1x4x8x128xf32, #tpu.memory_space<vmem>> -> memref<4x8x128xf32, #tpu.memory_space<vmem>>
      tpu.enqueue_dma source(%dma_start3A_651 : memref<4x8x128xf32, #tpu.memory_space<vmem>>) target(%dma_start3A_646 : memref<4x8x128xf32, #tpu.memory_space<hbm>>) target_semaphore(%dma_start3A_642 : memref<!tpu.dma_semaphore, #tpu.memory_space<semaphore_mem>>)
      %mul3A_652 = arith.constant 4 : i32
      %mul3A_653 = arith.muli %add3A, %mul3A_652 : i32
      %dma_start3A_654 = arith.constant 1 : i32
      %dma_start3A_655 = arith.constant 1 : i32
      %dma_start3A_656 = arith.constant 0 : i32
      %dma_start3A_657 = arith.constant 0 : i32
      %dma_start3A_658 = arith.constant 0 : i32
      %dma_start3A_659 = tpu.memref_slice %arg7[%select_n3A_232, %dma_start3A_654, %dma_start3A_656, %dma_start3A_657, %dma_start3A_658] : memref<2x4x4x8x128xf32, #tpu.memory_space<vmem>> -> memref<1x1x4x8x128xf32, #tpu.memory_space<vmem>>
      %dma_start3A_660 = tpu.memref_squeeze %dma_start3A_659 : memref<1x1x4x8x128xf32, #tpu.memory_space<vmem>> -> memref<4x8x128xf32, #tpu.memory_space<vmem>>
      %dma_start3A_661 = arith.constant 0 : i32
      %dma_start3A_662 = arith.constant 0 : i32
      %dma_start3A_663 = tpu.memref_slice %arg4[%scan3A_223, %dma_start3A_655, %mul3A_653, %dma_start3A_661, %dma_start3A_662] : memref<20x4x128x8x128xf32, #tpu.memory_space<hbm>> -> memref<1x1x4x8x128xf32, #tpu.memory_space<hbm>>
      %dma_start3A_664 = tpu.memref_squeeze %dma_start3A_663 : memref<1x1x4x8x128xf32, #tpu.memory_space<hbm>> -> memref<4x8x128xf32, #tpu.memory_space<hbm>>
      %dma_start3A_665 = tpu.memref_slice %arg8[%select_n3A_232] : memref<2x!tpu.dma_semaphore, #tpu.memory_space<semaphore_mem>> -> memref<1x!tpu.dma_semaphore, #tpu.memory_space<semaphore_mem>>
      %dma_start3A_666 = tpu.memref_squeeze %dma_start3A_665 : memref<1x!tpu.dma_semaphore, #tpu.memory_space<semaphore_mem>> -> memref<!tpu.dma_semaphore, #tpu.memory_space<semaphore_mem>>
      %dma_start3A_667 = arith.constant 0 : i32
      %dma_start3A_668 = arith.constant 0 : i32
      %dma_start3A_669 = tpu.memref_slice %arg4[%scan3A_223, %dma_start3A_655, %mul3A_653, %dma_start3A_667, %dma_start3A_668] : memref<20x4x128x8x128xf32, #tpu.memory_space<hbm>> -> memref<1x1x4x8x128xf32, #tpu.memory_space<hbm>>
      %dma_start3A_670 = tpu.memref_squeeze %dma_start3A_669 : memref<1x1x4x8x128xf32, #tpu.memory_space<hbm>> -> memref<4x8x128xf32, #tpu.memory_space<hbm>>
      %dma_start3A_671 = arith.constant 0 : i32
      %dma_start3A_672 = arith.constant 0 : i32
      %dma_start3A_673 = arith.constant 0 : i32
      %dma_start3A_674 = tpu.memref_slice %arg7[%select_n3A_232, %dma_start3A_654, %dma_start3A_671, %dma_start3A_672, %dma_start3A_673] : memref<2x4x4x8x128xf32, #tpu.memory_space<vmem>> -> memref<1x1x4x8x128xf32, #tpu.memory_space<vmem>>
      %dma_start3A_675 = tpu.memref_squeeze %dma_start3A_674 : memref<1x1x4x8x128xf32, #tpu.memory_space<vmem>> -> memref<4x8x128xf32, #tpu.memory_space<vmem>>
      tpu.enqueue_dma source(%dma_start3A_675 : memref<4x8x128xf32, #tpu.memory_space<vmem>>) target(%dma_start3A_670 : memref<4x8x128xf32, #tpu.memory_space<hbm>>) target_semaphore(%dma_start3A_666 : memref<!tpu.dma_semaphore, #tpu.memory_space<semaphore_mem>>)
      %mul3A_676 = arith.constant 4 : i32
      %mul3A_677 = arith.muli %add3A, %mul3A_676 : i32
      %dma_start3A_678 = arith.constant 2 : i32
      %dma_start3A_679 = arith.constant 2 : i32
      %dma_start3A_680 = arith.constant 0 : i32
      %dma_start3A_681 = arith.constant 0 : i32
      %dma_start3A_682 = arith.constant 0 : i32
      %dma_start3A_683 = tpu.memref_slice %arg7[%select_n3A_232, %dma_start3A_678, %dma_start3A_680, %dma_start3A_681, %dma_start3A_682] : memref<2x4x4x8x128xf32, #tpu.memory_space<vmem>> -> memref<1x1x4x8x128xf32, #tpu.memory_space<vmem>>
      %dma_start3A_684 = tpu.memref_squeeze %dma_start3A_683 : memref<1x1x4x8x128xf32, #tpu.memory_space<vmem>> -> memref<4x8x128xf32, #tpu.memory_space<vmem>>
      %dma_start3A_685 = arith.constant 0 : i32
      %dma_start3A_686 = arith.constant 0 : i32
      %dma_start3A_687 = tpu.memref_slice %arg4[%scan3A_223, %dma_start3A_679, %mul3A_677, %dma_start3A_685, %dma_start3A_686] : memref<20x4x128x8x128xf32, #tpu.memory_space<hbm>> -> memref<1x1x4x8x128xf32, #tpu.memory_space<hbm>>
      %dma_start3A_688 = tpu.memref_squeeze %dma_start3A_687 : memref<1x1x4x8x128xf32, #tpu.memory_space<hbm>> -> memref<4x8x128xf32, #tpu.memory_space<hbm>>
      %dma_start3A_689 = tpu.memref_slice %arg8[%select_n3A_232] : memref<2x!tpu.dma_semaphore, #tpu.memory_space<semaphore_mem>> -> memref<1x!tpu.dma_semaphore, #tpu.memory_space<semaphore_mem>>
      %dma_start3A_690 = tpu.memref_squeeze %dma_start3A_689 : memref<1x!tpu.dma_semaphore, #tpu.memory_space<semaphore_mem>> -> memref<!tpu.dma_semaphore, #tpu.memory_space<semaphore_mem>>
      %dma_start3A_691 = arith.constant 0 : i32
      %dma_start3A_692 = arith.constant 0 : i32
      %dma_start3A_693 = tpu.memref_slice %arg4[%scan3A_223, %dma_start3A_679, %mul3A_677, %dma_start3A_691, %dma_start3A_692] : memref<20x4x128x8x128xf32, #tpu.memory_space<hbm>> -> memref<1x1x4x8x128xf32, #tpu.memory_space<hbm>>
      %dma_start3A_694 = tpu.memref_squeeze %dma_start3A_693 : memref<1x1x4x8x128xf32, #tpu.memory_space<hbm>> -> memref<4x8x128xf32, #tpu.memory_space<hbm>>
      %dma_start3A_695 = arith.constant 0 : i32
      %dma_start3A_696 = arith.constant 0 : i32
      %dma_start3A_697 = arith.constant 0 : i32
      %dma_start3A_698 = tpu.memref_slice %arg7[%select_n3A_232, %dma_start3A_678, %dma_start3A_695, %dma_start3A_696, %dma_start3A_697] : memref<2x4x4x8x128xf32, #tpu.memory_space<vmem>> -> memref<1x1x4x8x128xf32, #tpu.memory_space<vmem>>
      %dma_start3A_699 = tpu.memref_squeeze %dma_start3A_698 : memref<1x1x4x8x128xf32, #tpu.memory_space<vmem>> -> memref<4x8x128xf32, #tpu.memory_space<vmem>>
      tpu.enqueue_dma source(%dma_start3A_699 : memref<4x8x128xf32, #tpu.memory_space<vmem>>) target(%dma_start3A_694 : memref<4x8x128xf32, #tpu.memory_space<hbm>>) target_semaphore(%dma_start3A_690 : memref<!tpu.dma_semaphore, #tpu.memory_space<semaphore_mem>>)
      %mul3A_700 = arith.constant 4 : i32
      %mul3A_701 = arith.muli %add3A, %mul3A_700 : i32
      %dma_start3A_702 = arith.constant 3 : i32
      %dma_start3A_703 = arith.constant 3 : i32
      %dma_start3A_704 = arith.constant 0 : i32
      %dma_start3A_705 = arith.constant 0 : i32
      %dma_start3A_706 = arith.constant 0 : i32
      %dma_start3A_707 = tpu.memref_slice %arg7[%select_n3A_232, %dma_start3A_702, %dma_start3A_704, %dma_start3A_705, %dma_start3A_706] : memref<2x4x4x8x128xf32, #tpu.memory_space<vmem>> -> memref<1x1x4x8x128xf32, #tpu.memory_space<vmem>>
      %dma_start3A_708 = tpu.memref_squeeze %dma_start3A_707 : memref<1x1x4x8x128xf32, #tpu.memory_space<vmem>> -> memref<4x8x128xf32, #tpu.memory_space<vmem>>
      %dma_start3A_709 = arith.constant 0 : i32
      %dma_start3A_710 = arith.constant 0 : i32
      %dma_start3A_711 = tpu.memref_slice %arg4[%scan3A_223, %dma_start3A_703, %mul3A_701, %dma_start3A_709, %dma_start3A_710] : memref<20x4x128x8x128xf32, #tpu.memory_space<hbm>> -> memref<1x1x4x8x128xf32, #tpu.memory_space<hbm>>
      %dma_start3A_712 = tpu.memref_squeeze %dma_start3A_711 : memref<1x1x4x8x128xf32, #tpu.memory_space<hbm>> -> memref<4x8x128xf32, #tpu.memory_space<hbm>>
      %dma_start3A_713 = tpu.memref_slice %arg8[%select_n3A_232] : memref<2x!tpu.dma_semaphore, #tpu.memory_space<semaphore_mem>> -> memref<1x!tpu.dma_semaphore, #tpu.memory_space<semaphore_mem>>
      %dma_start3A_714 = tpu.memref_squeeze %dma_start3A_713 : memref<1x!tpu.dma_semaphore, #tpu.memory_space<semaphore_mem>> -> memref<!tpu.dma_semaphore, #tpu.memory_space<semaphore_mem>>
      %dma_start3A_715 = arith.constant 0 : i32
      %dma_start3A_716 = arith.constant 0 : i32
      %dma_start3A_717 = tpu.memref_slice %arg4[%scan3A_223, %dma_start3A_703, %mul3A_701, %dma_start3A_715, %dma_start3A_716] : memref<20x4x128x8x128xf32, #tpu.memory_space<hbm>> -> memref<1x1x4x8x128xf32, #tpu.memory_space<hbm>>
      %dma_start3A_718 = tpu.memref_squeeze %dma_start3A_717 : memref<1x1x4x8x128xf32, #tpu.memory_space<hbm>> -> memref<4x8x128xf32, #tpu.memory_space<hbm>>
      %dma_start3A_719 = arith.constant 0 : i32
      %dma_start3A_720 = arith.constant 0 : i32
      %dma_start3A_721 = arith.constant 0 : i32
      %dma_start3A_722 = tpu.memref_slice %arg7[%select_n3A_232, %dma_start3A_702, %dma_start3A_719, %dma_start3A_720, %dma_start3A_721] : memref<2x4x4x8x128xf32, #tpu.memory_space<vmem>> -> memref<1x1x4x8x128xf32, #tpu.memory_space<vmem>>
      %dma_start3A_723 = tpu.memref_squeeze %dma_start3A_722 : memref<1x1x4x8x128xf32, #tpu.memory_space<vmem>> -> memref<4x8x128xf32, #tpu.memory_space<vmem>>
      tpu.enqueue_dma source(%dma_start3A_723 : memref<4x8x128xf32, #tpu.memory_space<vmem>>) target(%dma_start3A_718 : memref<4x8x128xf32, #tpu.memory_space<hbm>>) target_semaphore(%dma_start3A_714 : memref<!tpu.dma_semaphore, #tpu.memory_space<semaphore_mem>>)
    }
    %scan3A_7 = arith.constant 20 : i32
    %mul3A_8 = arith.constant 4 : i32
    %mul3A_9 = arith.muli %add3A, %mul3A_8 : i32
    %dma_wait3A = arith.constant 0 : i32
    %dma_wait3A_10 = arith.constant 0 : i32
    %dma_wait3A_11 = arith.constant 0 : i32
    %dma_wait3A_12 = arith.constant 0 : i32
    %dma_wait3A_13 = arith.constant 0 : i32
    %dma_wait3A_14 = arith.constant 0 : i32
    %dma_wait3A_15 = arith.constant 0 : i32
    %dma_wait3A_16 = arith.constant 0 : i32
    %dma_wait3A_17 = tpu.memref_slice %arg7[%dma_wait3A_11, %dma_wait3A_12, %dma_wait3A_14, %dma_wait3A_15, %dma_wait3A_16] : memref<2x4x4x8x128xf32, #tpu.memory_space<vmem>> -> memref<1x1x4x8x128xf32, #tpu.memory_space<vmem>>
    %dma_wait3A_18 = tpu.memref_squeeze %dma_wait3A_17 : memref<1x1x4x8x128xf32, #tpu.memory_space<vmem>> -> memref<4x8x128xf32, #tpu.memory_space<vmem>>
    %dma_wait3A_19 = arith.constant 0 : i32
    %dma_wait3A_20 = arith.constant 0 : i32
    %dma_wait3A_21 = tpu.memref_slice %arg4[%dma_wait3A, %dma_wait3A_10, %mul3A_9, %dma_wait3A_19, %dma_wait3A_20] : memref<20x4x128x8x128xf32, #tpu.memory_space<hbm>> -> memref<1x1x4x8x128xf32, #tpu.memory_space<hbm>>
    %dma_wait3A_22 = tpu.memref_squeeze %dma_wait3A_21 : memref<1x1x4x8x128xf32, #tpu.memory_space<hbm>> -> memref<4x8x128xf32, #tpu.memory_space<hbm>>
    %dma_wait3A_23 = tpu.memref_slice %arg8[%dma_wait3A_13] : memref<2x!tpu.dma_semaphore, #tpu.memory_space<semaphore_mem>> -> memref<1x!tpu.dma_semaphore, #tpu.memory_space<semaphore_mem>>
    %dma_wait3A_24 = tpu.memref_squeeze %dma_wait3A_23 : memref<1x!tpu.dma_semaphore, #tpu.memory_space<semaphore_mem>> -> memref<!tpu.dma_semaphore, #tpu.memory_space<semaphore_mem>>
    %dma_wait3A_25 = arith.constant 0 : i32
    %dma_wait3A_26 = arith.constant 0 : i32
    %dma_wait3A_27 = arith.constant 0 : i32
    %dma_wait3A_28 = tpu.memref_slice %arg7[%dma_wait3A_11, %dma_wait3A_12, %dma_wait3A_25, %dma_wait3A_26, %dma_wait3A_27] : memref<2x4x4x8x128xf32, #tpu.memory_space<vmem>> -> memref<1x1x4x8x128xf32, #tpu.memory_space<vmem>>
    %dma_wait3A_29 = tpu.memref_squeeze %dma_wait3A_28 : memref<1x1x4x8x128xf32, #tpu.memory_space<vmem>> -> memref<4x8x128xf32, #tpu.memory_space<vmem>>
    %dma_wait3A_30 = arith.constant 0 : i32
    %dma_wait3A_31 = arith.constant 0 : i32
    %dma_wait3A_32 = tpu.memref_slice %arg4[%dma_wait3A, %dma_wait3A_10, %mul3A_9, %dma_wait3A_30, %dma_wait3A_31] : memref<20x4x128x8x128xf32, #tpu.memory_space<hbm>> -> memref<1x1x4x8x128xf32, #tpu.memory_space<hbm>>
    %dma_wait3A_33 = tpu.memref_squeeze %dma_wait3A_32 : memref<1x1x4x8x128xf32, #tpu.memory_space<hbm>> -> memref<4x8x128xf32, #tpu.memory_space<hbm>>
    tpu.wait_dma2 semaphore(%dma_wait3A_24 : memref<!tpu.dma_semaphore, #tpu.memory_space<semaphore_mem>>) src(%dma_wait3A_33 : memref<4x8x128xf32, #tpu.memory_space<hbm>>) dst(%dma_wait3A_29 : memref<4x8x128xf32, #tpu.memory_space<vmem>>)
    %mul3A_34 = arith.constant 4 : i32
    %mul3A_35 = arith.muli %add3A, %mul3A_34 : i32
    %dma_wait3A_36 = arith.constant 0 : i32
    %dma_wait3A_37 = arith.constant 1 : i32
    %dma_wait3A_38 = arith.constant 0 : i32
    %dma_wait3A_39 = arith.constant 1 : i32
    %dma_wait3A_40 = arith.constant 0 : i32
    %dma_wait3A_41 = arith.constant 0 : i32
    %dma_wait3A_42 = arith.constant 0 : i32
    %dma_wait3A_43 = arith.constant 0 : i32
    %dma_wait3A_44 = tpu.memref_slice %arg7[%dma_wait3A_38, %dma_wait3A_39, %dma_wait3A_41, %dma_wait3A_42, %dma_wait3A_43] : memref<2x4x4x8x128xf32, #tpu.memory_space<vmem>> -> memref<1x1x4x8x128xf32, #tpu.memory_space<vmem>>
    %dma_wait3A_45 = tpu.memref_squeeze %dma_wait3A_44 : memref<1x1x4x8x128xf32, #tpu.memory_space<vmem>> -> memref<4x8x128xf32, #tpu.memory_space<vmem>>
    %dma_wait3A_46 = arith.constant 0 : i32
    %dma_wait3A_47 = arith.constant 0 : i32
    %dma_wait3A_48 = tpu.memref_slice %arg4[%dma_wait3A_36, %dma_wait3A_37, %mul3A_35, %dma_wait3A_46, %dma_wait3A_47] : memref<20x4x128x8x128xf32, #tpu.memory_space<hbm>> -> memref<1x1x4x8x128xf32, #tpu.memory_space<hbm>>
    %dma_wait3A_49 = tpu.memref_squeeze %dma_wait3A_48 : memref<1x1x4x8x128xf32, #tpu.memory_space<hbm>> -> memref<4x8x128xf32, #tpu.memory_space<hbm>>
    %dma_wait3A_50 = tpu.memref_slice %arg8[%dma_wait3A_40] : memref<2x!tpu.dma_semaphore, #tpu.memory_space<semaphore_mem>> -> memref<1x!tpu.dma_semaphore, #tpu.memory_space<semaphore_mem>>
    %dma_wait3A_51 = tpu.memref_squeeze %dma_wait3A_50 : memref<1x!tpu.dma_semaphore, #tpu.memory_space<semaphore_mem>> -> memref<!tpu.dma_semaphore, #tpu.memory_space<semaphore_mem>>
    %dma_wait3A_52 = arith.constant 0 : i32
    %dma_wait3A_53 = arith.constant 0 : i32
    %dma_wait3A_54 = arith.constant 0 : i32
    %dma_wait3A_55 = tpu.memref_slice %arg7[%dma_wait3A_38, %dma_wait3A_39, %dma_wait3A_52, %dma_wait3A_53, %dma_wait3A_54] : memref<2x4x4x8x128xf32, #tpu.memory_space<vmem>> -> memref<1x1x4x8x128xf32, #tpu.memory_space<vmem>>
    %dma_wait3A_56 = tpu.memref_squeeze %dma_wait3A_55 : memref<1x1x4x8x128xf32, #tpu.memory_space<vmem>> -> memref<4x8x128xf32, #tpu.memory_space<vmem>>
    %dma_wait3A_57 = arith.constant 0 : i32
    %dma_wait3A_58 = arith.constant 0 : i32
    %dma_wait3A_59 = tpu.memref_slice %arg4[%dma_wait3A_36, %dma_wait3A_37, %mul3A_35, %dma_wait3A_57, %dma_wait3A_58] : memref<20x4x128x8x128xf32, #tpu.memory_space<hbm>> -> memref<1x1x4x8x128xf32, #tpu.memory_space<hbm>>
    %dma_wait3A_60 = tpu.memref_squeeze %dma_wait3A_59 : memref<1x1x4x8x128xf32, #tpu.memory_space<hbm>> -> memref<4x8x128xf32, #tpu.memory_space<hbm>>
    tpu.wait_dma2 semaphore(%dma_wait3A_51 : memref<!tpu.dma_semaphore, #tpu.memory_space<semaphore_mem>>) src(%dma_wait3A_60 : memref<4x8x128xf32, #tpu.memory_space<hbm>>) dst(%dma_wait3A_56 : memref<4x8x128xf32, #tpu.memory_space<vmem>>)
    %mul3A_61 = arith.constant 4 : i32
    %mul3A_62 = arith.muli %add3A, %mul3A_61 : i32
    %dma_wait3A_63 = arith.constant 0 : i32
    %dma_wait3A_64 = arith.constant 2 : i32
    %dma_wait3A_65 = arith.constant 0 : i32
    %dma_wait3A_66 = arith.constant 2 : i32
    %dma_wait3A_67 = arith.constant 0 : i32
    %dma_wait3A_68 = arith.constant 0 : i32
    %dma_wait3A_69 = arith.constant 0 : i32
    %dma_wait3A_70 = arith.constant 0 : i32
    %dma_wait3A_71 = tpu.memref_slice %arg7[%dma_wait3A_65, %dma_wait3A_66, %dma_wait3A_68, %dma_wait3A_69, %dma_wait3A_70] : memref<2x4x4x8x128xf32, #tpu.memory_space<vmem>> -> memref<1x1x4x8x128xf32, #tpu.memory_space<vmem>>
    %dma_wait3A_72 = tpu.memref_squeeze %dma_wait3A_71 : memref<1x1x4x8x128xf32, #tpu.memory_space<vmem>> -> memref<4x8x128xf32, #tpu.memory_space<vmem>>
    %dma_wait3A_73 = arith.constant 0 : i32
    %dma_wait3A_74 = arith.constant 0 : i32
    %dma_wait3A_75 = tpu.memref_slice %arg4[%dma_wait3A_63, %dma_wait3A_64, %mul3A_62, %dma_wait3A_73, %dma_wait3A_74] : memref<20x4x128x8x128xf32, #tpu.memory_space<hbm>> -> memref<1x1x4x8x128xf32, #tpu.memory_space<hbm>>
    %dma_wait3A_76 = tpu.memref_squeeze %dma_wait3A_75 : memref<1x1x4x8x128xf32, #tpu.memory_space<hbm>> -> memref<4x8x128xf32, #tpu.memory_space<hbm>>
    %dma_wait3A_77 = tpu.memref_slice %arg8[%dma_wait3A_67] : memref<2x!tpu.dma_semaphore, #tpu.memory_space<semaphore_mem>> -> memref<1x!tpu.dma_semaphore, #tpu.memory_space<semaphore_mem>>
    %dma_wait3A_78 = tpu.memref_squeeze %dma_wait3A_77 : memref<1x!tpu.dma_semaphore, #tpu.memory_space<semaphore_mem>> -> memref<!tpu.dma_semaphore, #tpu.memory_space<semaphore_mem>>
    %dma_wait3A_79 = arith.constant 0 : i32
    %dma_wait3A_80 = arith.constant 0 : i32
    %dma_wait3A_81 = arith.constant 0 : i32
    %dma_wait3A_82 = tpu.memref_slice %arg7[%dma_wait3A_65, %dma_wait3A_66, %dma_wait3A_79, %dma_wait3A_80, %dma_wait3A_81] : memref<2x4x4x8x128xf32, #tpu.memory_space<vmem>> -> memref<1x1x4x8x128xf32, #tpu.memory_space<vmem>>
    %dma_wait3A_83 = tpu.memref_squeeze %dma_wait3A_82 : memref<1x1x4x8x128xf32, #tpu.memory_space<vmem>> -> memref<4x8x128xf32, #tpu.memory_space<vmem>>
    %dma_wait3A_84 = arith.constant 0 : i32
    %dma_wait3A_85 = arith.constant 0 : i32
    %dma_wait3A_86 = tpu.memref_slice %arg4[%dma_wait3A_63, %dma_wait3A_64, %mul3A_62, %dma_wait3A_84, %dma_wait3A_85] : memref<20x4x128x8x128xf32, #tpu.memory_space<hbm>> -> memref<1x1x4x8x128xf32, #tpu.memory_space<hbm>>
    %dma_wait3A_87 = tpu.memref_squeeze %dma_wait3A_86 : memref<1x1x4x8x128xf32, #tpu.memory_space<hbm>> -> memref<4x8x128xf32, #tpu.memory_space<hbm>>
    tpu.wait_dma2 semaphore(%dma_wait3A_78 : memref<!tpu.dma_semaphore, #tpu.memory_space<semaphore_mem>>) src(%dma_wait3A_87 : memref<4x8x128xf32, #tpu.memory_space<hbm>>) dst(%dma_wait3A_83 : memref<4x8x128xf32, #tpu.memory_space<vmem>>)
    %mul3A_88 = arith.constant 4 : i32
    %mul3A_89 = arith.muli %add3A, %mul3A_88 : i32
    %dma_wait3A_90 = arith.constant 0 : i32
    %dma_wait3A_91 = arith.constant 3 : i32
    %dma_wait3A_92 = arith.constant 0 : i32
    %dma_wait3A_93 = arith.constant 3 : i32
    %dma_wait3A_94 = arith.constant 0 : i32
    %dma_wait3A_95 = arith.constant 0 : i32
    %dma_wait3A_96 = arith.constant 0 : i32
    %dma_wait3A_97 = arith.constant 0 : i32
    %dma_wait3A_98 = tpu.memref_slice %arg7[%dma_wait3A_92, %dma_wait3A_93, %dma_wait3A_95, %dma_wait3A_96, %dma_wait3A_97] : memref<2x4x4x8x128xf32, #tpu.memory_space<vmem>> -> memref<1x1x4x8x128xf32, #tpu.memory_space<vmem>>
    %dma_wait3A_99 = tpu.memref_squeeze %dma_wait3A_98 : memref<1x1x4x8x128xf32, #tpu.memory_space<vmem>> -> memref<4x8x128xf32, #tpu.memory_space<vmem>>
    %dma_wait3A_100 = arith.constant 0 : i32
    %dma_wait3A_101 = arith.constant 0 : i32
    %dma_wait3A_102 = tpu.memref_slice %arg4[%dma_wait3A_90, %dma_wait3A_91, %mul3A_89, %dma_wait3A_100, %dma_wait3A_101] : memref<20x4x128x8x128xf32, #tpu.memory_space<hbm>> -> memref<1x1x4x8x128xf32, #tpu.memory_space<hbm>>
    %dma_wait3A_103 = tpu.memref_squeeze %dma_wait3A_102 : memref<1x1x4x8x128xf32, #tpu.memory_space<hbm>> -> memref<4x8x128xf32, #tpu.memory_space<hbm>>
    %dma_wait3A_104 = tpu.memref_slice %arg8[%dma_wait3A_94] : memref<2x!tpu.dma_semaphore, #tpu.memory_space<semaphore_mem>> -> memref<1x!tpu.dma_semaphore, #tpu.memory_space<semaphore_mem>>
    %dma_wait3A_105 = tpu.memref_squeeze %dma_wait3A_104 : memref<1x!tpu.dma_semaphore, #tpu.memory_space<semaphore_mem>> -> memref<!tpu.dma_semaphore, #tpu.memory_space<semaphore_mem>>
    %dma_wait3A_106 = arith.constant 0 : i32
    %dma_wait3A_107 = arith.constant 0 : i32
    %dma_wait3A_108 = arith.constant 0 : i32
    %dma_wait3A_109 = tpu.memref_slice %arg7[%dma_wait3A_92, %dma_wait3A_93, %dma_wait3A_106, %dma_wait3A_107, %dma_wait3A_108] : memref<2x4x4x8x128xf32, #tpu.memory_space<vmem>> -> memref<1x1x4x8x128xf32, #tpu.memory_space<vmem>>
    %dma_wait3A_110 = tpu.memref_squeeze %dma_wait3A_109 : memref<1x1x4x8x128xf32, #tpu.memory_space<vmem>> -> memref<4x8x128xf32, #tpu.memory_space<vmem>>
    %dma_wait3A_111 = arith.constant 0 : i32
    %dma_wait3A_112 = arith.constant 0 : i32
    %dma_wait3A_113 = tpu.memref_slice %arg4[%dma_wait3A_90, %dma_wait3A_91, %mul3A_89, %dma_wait3A_111, %dma_wait3A_112] : memref<20x4x128x8x128xf32, #tpu.memory_space<hbm>> -> memref<1x1x4x8x128xf32, #tpu.memory_space<hbm>>
    %dma_wait3A_114 = tpu.memref_squeeze %dma_wait3A_113 : memref<1x1x4x8x128xf32, #tpu.memory_space<hbm>> -> memref<4x8x128xf32, #tpu.memory_space<hbm>>
    tpu.wait_dma2 semaphore(%dma_wait3A_105 : memref<!tpu.dma_semaphore, #tpu.memory_space<semaphore_mem>>) src(%dma_wait3A_114 : memref<4x8x128xf32, #tpu.memory_space<hbm>>) dst(%dma_wait3A_110 : memref<4x8x128xf32, #tpu.memory_space<vmem>>)
    %mul3A_115 = arith.constant 4 : i32
    %mul3A_116 = arith.muli %add3A, %mul3A_115 : i32
    %dma_wait3A_117 = arith.constant 0 : i32
    %dma_wait3A_118 = arith.constant 0 : i32
    %dma_wait3A_119 = arith.constant 1 : i32
    %dma_wait3A_120 = arith.constant 0 : i32
    %dma_wait3A_121 = arith.constant 1 : i32
    %dma_wait3A_122 = arith.constant 0 : i32
    %dma_wait3A_123 = arith.constant 0 : i32
    %dma_wait3A_124 = arith.constant 0 : i32
    %dma_wait3A_125 = tpu.memref_slice %arg7[%dma_wait3A_119, %dma_wait3A_120, %dma_wait3A_122, %dma_wait3A_123, %dma_wait3A_124] : memref<2x4x4x8x128xf32, #tpu.memory_space<vmem>> -> memref<1x1x4x8x128xf32, #tpu.memory_space<vmem>>
    %dma_wait3A_126 = tpu.memref_squeeze %dma_wait3A_125 : memref<1x1x4x8x128xf32, #tpu.memory_space<vmem>> -> memref<4x8x128xf32, #tpu.memory_space<vmem>>
    %dma_wait3A_127 = arith.constant 0 : i32
    %dma_wait3A_128 = arith.constant 0 : i32
    %dma_wait3A_129 = tpu.memref_slice %arg4[%dma_wait3A_117, %dma_wait3A_118, %mul3A_116, %dma_wait3A_127, %dma_wait3A_128] : memref<20x4x128x8x128xf32, #tpu.memory_space<hbm>> -> memref<1x1x4x8x128xf32, #tpu.memory_space<hbm>>
    %dma_wait3A_130 = tpu.memref_squeeze %dma_wait3A_129 : memref<1x1x4x8x128xf32, #tpu.memory_space<hbm>> -> memref<4x8x128xf32, #tpu.memory_space<hbm>>
    %dma_wait3A_131 = tpu.memref_slice %arg8[%dma_wait3A_121] : memref<2x!tpu.dma_semaphore, #tpu.memory_space<semaphore_mem>> -> memref<1x!tpu.dma_semaphore, #tpu.memory_space<semaphore_mem>>
    %dma_wait3A_132 = tpu.memref_squeeze %dma_wait3A_131 : memref<1x!tpu.dma_semaphore, #tpu.memory_space<semaphore_mem>> -> memref<!tpu.dma_semaphore, #tpu.memory_space<semaphore_mem>>
    %dma_wait3A_133 = arith.constant 0 : i32
    %dma_wait3A_134 = arith.constant 0 : i32
    %dma_wait3A_135 = arith.constant 0 : i32
    %dma_wait3A_136 = tpu.memref_slice %arg7[%dma_wait3A_119, %dma_wait3A_120, %dma_wait3A_133, %dma_wait3A_134, %dma_wait3A_135] : memref<2x4x4x8x128xf32, #tpu.memory_space<vmem>> -> memref<1x1x4x8x128xf32, #tpu.memory_space<vmem>>
    %dma_wait3A_137 = tpu.memref_squeeze %dma_wait3A_136 : memref<1x1x4x8x128xf32, #tpu.memory_space<vmem>> -> memref<4x8x128xf32, #tpu.memory_space<vmem>>
    %dma_wait3A_138 = arith.constant 0 : i32
    %dma_wait3A_139 = arith.constant 0 : i32
    %dma_wait3A_140 = tpu.memref_slice %arg4[%dma_wait3A_117, %dma_wait3A_118, %mul3A_116, %dma_wait3A_138, %dma_wait3A_139] : memref<20x4x128x8x128xf32, #tpu.memory_space<hbm>> -> memref<1x1x4x8x128xf32, #tpu.memory_space<hbm>>
    %dma_wait3A_141 = tpu.memref_squeeze %dma_wait3A_140 : memref<1x1x4x8x128xf32, #tpu.memory_space<hbm>> -> memref<4x8x128xf32, #tpu.memory_space<hbm>>
    tpu.wait_dma2 semaphore(%dma_wait3A_132 : memref<!tpu.dma_semaphore, #tpu.memory_space<semaphore_mem>>) src(%dma_wait3A_141 : memref<4x8x128xf32, #tpu.memory_space<hbm>>) dst(%dma_wait3A_137 : memref<4x8x128xf32, #tpu.memory_space<vmem>>)
    %mul3A_142 = arith.constant 4 : i32
    %mul3A_143 = arith.muli %add3A, %mul3A_142 : i32
    %dma_wait3A_144 = arith.constant 0 : i32
    %dma_wait3A_145 = arith.constant 1 : i32
    %dma_wait3A_146 = arith.constant 1 : i32
    %dma_wait3A_147 = arith.constant 1 : i32
    %dma_wait3A_148 = arith.constant 1 : i32
    %dma_wait3A_149 = arith.constant 0 : i32
    %dma_wait3A_150 = arith.constant 0 : i32
    %dma_wait3A_151 = arith.constant 0 : i32
    %dma_wait3A_152 = tpu.memref_slice %arg7[%dma_wait3A_146, %dma_wait3A_147, %dma_wait3A_149, %dma_wait3A_150, %dma_wait3A_151] : memref<2x4x4x8x128xf32, #tpu.memory_space<vmem>> -> memref<1x1x4x8x128xf32, #tpu.memory_space<vmem>>
    %dma_wait3A_153 = tpu.memref_squeeze %dma_wait3A_152 : memref<1x1x4x8x128xf32, #tpu.memory_space<vmem>> -> memref<4x8x128xf32, #tpu.memory_space<vmem>>
    %dma_wait3A_154 = arith.constant 0 : i32
    %dma_wait3A_155 = arith.constant 0 : i32
    %dma_wait3A_156 = tpu.memref_slice %arg4[%dma_wait3A_144, %dma_wait3A_145, %mul3A_143, %dma_wait3A_154, %dma_wait3A_155] : memref<20x4x128x8x128xf32, #tpu.memory_space<hbm>> -> memref<1x1x4x8x128xf32, #tpu.memory_space<hbm>>
    %dma_wait3A_157 = tpu.memref_squeeze %dma_wait3A_156 : memref<1x1x4x8x128xf32, #tpu.memory_space<hbm>> -> memref<4x8x128xf32, #tpu.memory_space<hbm>>
    %dma_wait3A_158 = tpu.memref_slice %arg8[%dma_wait3A_148] : memref<2x!tpu.dma_semaphore, #tpu.memory_space<semaphore_mem>> -> memref<1x!tpu.dma_semaphore, #tpu.memory_space<semaphore_mem>>
    %dma_wait3A_159 = tpu.memref_squeeze %dma_wait3A_158 : memref<1x!tpu.dma_semaphore, #tpu.memory_space<semaphore_mem>> -> memref<!tpu.dma_semaphore, #tpu.memory_space<semaphore_mem>>
    %dma_wait3A_160 = arith.constant 0 : i32
    %dma_wait3A_161 = arith.constant 0 : i32
    %dma_wait3A_162 = arith.constant 0 : i32
    %dma_wait3A_163 = tpu.memref_slice %arg7[%dma_wait3A_146, %dma_wait3A_147, %dma_wait3A_160, %dma_wait3A_161, %dma_wait3A_162] : memref<2x4x4x8x128xf32, #tpu.memory_space<vmem>> -> memref<1x1x4x8x128xf32, #tpu.memory_space<vmem>>
    %dma_wait3A_164 = tpu.memref_squeeze %dma_wait3A_163 : memref<1x1x4x8x128xf32, #tpu.memory_space<vmem>> -> memref<4x8x128xf32, #tpu.memory_space<vmem>>
    %dma_wait3A_165 = arith.constant 0 : i32
    %dma_wait3A_166 = arith.constant 0 : i32
    %dma_wait3A_167 = tpu.memref_slice %arg4[%dma_wait3A_144, %dma_wait3A_145, %mul3A_143, %dma_wait3A_165, %dma_wait3A_166] : memref<20x4x128x8x128xf32, #tpu.memory_space<hbm>> -> memref<1x1x4x8x128xf32, #tpu.memory_space<hbm>>
    %dma_wait3A_168 = tpu.memref_squeeze %dma_wait3A_167 : memref<1x1x4x8x128xf32, #tpu.memory_space<hbm>> -> memref<4x8x128xf32, #tpu.memory_space<hbm>>
    tpu.wait_dma2 semaphore(%dma_wait3A_159 : memref<!tpu.dma_semaphore, #tpu.memory_space<semaphore_mem>>) src(%dma_wait3A_168 : memref<4x8x128xf32, #tpu.memory_space<hbm>>) dst(%dma_wait3A_164 : memref<4x8x128xf32, #tpu.memory_space<vmem>>)
    %mul3A_169 = arith.constant 4 : i32
    %mul3A_170 = arith.muli %add3A, %mul3A_169 : i32
    %dma_wait3A_171 = arith.constant 0 : i32
    %dma_wait3A_172 = arith.constant 2 : i32
    %dma_wait3A_173 = arith.constant 1 : i32
    %dma_wait3A_174 = arith.constant 2 : i32
    %dma_wait3A_175 = arith.constant 1 : i32
    %dma_wait3A_176 = arith.constant 0 : i32
    %dma_wait3A_177 = arith.constant 0 : i32
    %dma_wait3A_178 = arith.constant 0 : i32
    %dma_wait3A_179 = tpu.memref_slice %arg7[%dma_wait3A_173, %dma_wait3A_174, %dma_wait3A_176, %dma_wait3A_177, %dma_wait3A_178] : memref<2x4x4x8x128xf32, #tpu.memory_space<vmem>> -> memref<1x1x4x8x128xf32, #tpu.memory_space<vmem>>
    %dma_wait3A_180 = tpu.memref_squeeze %dma_wait3A_179 : memref<1x1x4x8x128xf32, #tpu.memory_space<vmem>> -> memref<4x8x128xf32, #tpu.memory_space<vmem>>
    %dma_wait3A_181 = arith.constant 0 : i32
    %dma_wait3A_182 = arith.constant 0 : i32
    %dma_wait3A_183 = tpu.memref_slice %arg4[%dma_wait3A_171, %dma_wait3A_172, %mul3A_170, %dma_wait3A_181, %dma_wait3A_182] : memref<20x4x128x8x128xf32, #tpu.memory_space<hbm>> -> memref<1x1x4x8x128xf32, #tpu.memory_space<hbm>>
    %dma_wait3A_184 = tpu.memref_squeeze %dma_wait3A_183 : memref<1x1x4x8x128xf32, #tpu.memory_space<hbm>> -> memref<4x8x128xf32, #tpu.memory_space<hbm>>
    %dma_wait3A_185 = tpu.memref_slice %arg8[%dma_wait3A_175] : memref<2x!tpu.dma_semaphore, #tpu.memory_space<semaphore_mem>> -> memref<1x!tpu.dma_semaphore, #tpu.memory_space<semaphore_mem>>
    %dma_wait3A_186 = tpu.memref_squeeze %dma_wait3A_185 : memref<1x!tpu.dma_semaphore, #tpu.memory_space<semaphore_mem>> -> memref<!tpu.dma_semaphore, #tpu.memory_space<semaphore_mem>>
    %dma_wait3A_187 = arith.constant 0 : i32
    %dma_wait3A_188 = arith.constant 0 : i32
    %dma_wait3A_189 = arith.constant 0 : i32
    %dma_wait3A_190 = tpu.memref_slice %arg7[%dma_wait3A_173, %dma_wait3A_174, %dma_wait3A_187, %dma_wait3A_188, %dma_wait3A_189] : memref<2x4x4x8x128xf32, #tpu.memory_space<vmem>> -> memref<1x1x4x8x128xf32, #tpu.memory_space<vmem>>
    %dma_wait3A_191 = tpu.memref_squeeze %dma_wait3A_190 : memref<1x1x4x8x128xf32, #tpu.memory_space<vmem>> -> memref<4x8x128xf32, #tpu.memory_space<vmem>>
    %dma_wait3A_192 = arith.constant 0 : i32
    %dma_wait3A_193 = arith.constant 0 : i32
    %dma_wait3A_194 = tpu.memref_slice %arg4[%dma_wait3A_171, %dma_wait3A_172, %mul3A_170, %dma_wait3A_192, %dma_wait3A_193] : memref<20x4x128x8x128xf32, #tpu.memory_space<hbm>> -> memref<1x1x4x8x128xf32, #tpu.memory_space<hbm>>
    %dma_wait3A_195 = tpu.memref_squeeze %dma_wait3A_194 : memref<1x1x4x8x128xf32, #tpu.memory_space<hbm>> -> memref<4x8x128xf32, #tpu.memory_space<hbm>>
    tpu.wait_dma2 semaphore(%dma_wait3A_186 : memref<!tpu.dma_semaphore, #tpu.memory_space<semaphore_mem>>) src(%dma_wait3A_195 : memref<4x8x128xf32, #tpu.memory_space<hbm>>) dst(%dma_wait3A_191 : memref<4x8x128xf32, #tpu.memory_space<vmem>>)
    %mul3A_196 = arith.constant 4 : i32
    %mul3A_197 = arith.muli %add3A, %mul3A_196 : i32
    %dma_wait3A_198 = arith.constant 0 : i32
    %dma_wait3A_199 = arith.constant 3 : i32
    %dma_wait3A_200 = arith.constant 1 : i32
    %dma_wait3A_201 = arith.constant 3 : i32
    %dma_wait3A_202 = arith.constant 1 : i32
    %dma_wait3A_203 = arith.constant 0 : i32
    %dma_wait3A_204 = arith.constant 0 : i32
    %dma_wait3A_205 = arith.constant 0 : i32
    %dma_wait3A_206 = tpu.memref_slice %arg7[%dma_wait3A_200, %dma_wait3A_201, %dma_wait3A_203, %dma_wait3A_204, %dma_wait3A_205] : memref<2x4x4x8x128xf32, #tpu.memory_space<vmem>> -> memref<1x1x4x8x128xf32, #tpu.memory_space<vmem>>
    %dma_wait3A_207 = tpu.memref_squeeze %dma_wait3A_206 : memref<1x1x4x8x128xf32, #tpu.memory_space<vmem>> -> memref<4x8x128xf32, #tpu.memory_space<vmem>>
    %dma_wait3A_208 = arith.constant 0 : i32
    %dma_wait3A_209 = arith.constant 0 : i32
    %dma_wait3A_210 = tpu.memref_slice %arg4[%dma_wait3A_198, %dma_wait3A_199, %mul3A_197, %dma_wait3A_208, %dma_wait3A_209] : memref<20x4x128x8x128xf32, #tpu.memory_space<hbm>> -> memref<1x1x4x8x128xf32, #tpu.memory_space<hbm>>
    %dma_wait3A_211 = tpu.memref_squeeze %dma_wait3A_210 : memref<1x1x4x8x128xf32, #tpu.memory_space<hbm>> -> memref<4x8x128xf32, #tpu.memory_space<hbm>>
    %dma_wait3A_212 = tpu.memref_slice %arg8[%dma_wait3A_202] : memref<2x!tpu.dma_semaphore, #tpu.memory_space<semaphore_mem>> -> memref<1x!tpu.dma_semaphore, #tpu.memory_space<semaphore_mem>>
    %dma_wait3A_213 = tpu.memref_squeeze %dma_wait3A_212 : memref<1x!tpu.dma_semaphore, #tpu.memory_space<semaphore_mem>> -> memref<!tpu.dma_semaphore, #tpu.memory_space<semaphore_mem>>
    %dma_wait3A_214 = arith.constant 0 : i32
    %dma_wait3A_215 = arith.constant 0 : i32
    %dma_wait3A_216 = arith.constant 0 : i32
    %dma_wait3A_217 = tpu.memref_slice %arg7[%dma_wait3A_200, %dma_wait3A_201, %dma_wait3A_214, %dma_wait3A_215, %dma_wait3A_216] : memref<2x4x4x8x128xf32, #tpu.memory_space<vmem>> -> memref<1x1x4x8x128xf32, #tpu.memory_space<vmem>>
    %dma_wait3A_218 = tpu.memref_squeeze %dma_wait3A_217 : memref<1x1x4x8x128xf32, #tpu.memory_space<vmem>> -> memref<4x8x128xf32, #tpu.memory_space<vmem>>
    %dma_wait3A_219 = arith.constant 0 : i32
    %dma_wait3A_220 = arith.constant 0 : i32
    %dma_wait3A_221 = tpu.memref_slice %arg4[%dma_wait3A_198, %dma_wait3A_199, %mul3A_197, %dma_wait3A_219, %dma_wait3A_220] : memref<20x4x128x8x128xf32, #tpu.memory_space<hbm>> -> memref<1x1x4x8x128xf32, #tpu.memory_space<hbm>>
    %dma_wait3A_222 = tpu.memref_squeeze %dma_wait3A_221 : memref<1x1x4x8x128xf32, #tpu.memory_space<hbm>> -> memref<4x8x128xf32, #tpu.memory_space<hbm>>
    tpu.wait_dma2 semaphore(%dma_wait3A_213 : memref<!tpu.dma_semaphore, #tpu.memory_space<semaphore_mem>>) src(%dma_wait3A_222 : memref<4x8x128xf32, #tpu.memory_space<hbm>>) dst(%dma_wait3A_218 : memref<4x8x128xf32, #tpu.memory_space<vmem>>)
    return
  }
}

</mosaic_0001>

<sc_bundles>
// kernel: kernel.3.cloned.1.call-start
scs
__scs_entry_jumppad:
0x0: {  	(pc) =	sbr.rel $0x88, $3  }
0x1: {  	(tag) =	ssettag $0x0;
	lr =	simm.s32 $0x1  }
0x2: {  	[smem:$0x3F9F] =	sst lr;
	_ =	strace $0xD0000000  }
0x3: {  	_ = 	snop  }
0x4: {  	_ = 	snop  }
0x5: {  	_ = 	snop  }
0x6: {  	_ = 	snop  }
0x7: {  	_ = 	snop  }
__scs_overlays_trampoline_lowered:
0x8: {  	[smem:$0x3FAE] =	sst s0  }
0x9: {  	[smem:$0x3FAF] =	sst s1  }
0xa: {  	[smem:$0x3FB0] =	sst s2  }
0xb: {  	[smem:$0x3FB1] =	sst s3  }
0xc: {  	[smem:$0x3FB2] =	sst s4  }
0xd: {  	[smem:$0x3FB3] =	sst s5  }
0xe: {  	[smem:$0x3FB4] =	sst s6  }
0xf: {  	[smem:$0x3FB5] =	sst s7  }
0x10: {  	[smem:$0x3FB6] =	sst s8  }
0x11: {  	[smem:$0x3FB7] =	sst s9;
	s0 =	simm.s32 @!p0 $0x0  }
0x12: {  	s1 =	sld [smem:$0x3F9D];
	s0 =	simm.s32 @p0 $0x1  }
0x13: {  	[smem:$0x3FB8] =	sst s0;
	s0 =	simm.s32 @!p1 $0x0  }
0x14: {  	s2 =	sld [smem:$0x3F9C];
	s0 =	simm.s32 @p1 $0x1  }
0x15: {  	[smem:$0x3FB9] =	sst s0;
	s0 =	simm.s32 @!p2 $0x0  }
0x16: {  	s3 =	sld [smem:$0x3FDB];
	s0 =	simm.s32 @p2 $0x1  }
0x17: {  	s4 =	simm.s32 $0x1BF5;
	[smem:$0x3FBB] =	sst s0  }
0x18: {  	s0 =	sld [smem:$0x3F9E];
	_ =	swait.ge [sflag:s4], $0x0  }
0x19: {  	s7 =	sld [smem:$0x3F9F]  }
0x1a: {  	s8 =	sadd.s32 $0xFFFFE003, lr  }
0x1b: {  	s9 =	sadd.s32 $0xFFFFFEF7, lr;
	s5 =	simm.s32 $0xFFFFFFFF;
	p2 =	slt.u32 s8, $0xFFFFF086  }
0x1c: {  	p1 =	slt.u32 s9, $0xF7A;
	s5 =	simm.s32 @!p2 $0x0  }
0x1d: {  	s5 =	simm.s32 @p1 $0x1;
	p0 =	seq.s32 s7, s2  }
0x1e: {  	s7 =	smul.u32 @!p0 $0xF7A, s2;
	p2 =	seq.s32 @!p0 s5, $0x0  }
0x1f: {  	s9 =	smul.u32 $0xF7A, s1;
	s8 =	simm.s32 @!p0 $0x1BF5;
	p2 =	por !p2, p0  }
0x20: {  	[sflag:s8] =	ssyncset.s32 @!p0 $0xFFFFF086;
	s6 =	sadd.s32 @!p0 s3, s7;
	s7 =	simm.s32 @!p0 $0x108  }
0x21: {  	s3 =	sadd.s32 s3, s9;
	s6 =	sadd.s32 @!p0 $0x88, s6;
	s7 =	simm.s32 @p2 $0x1082  }
0x22: {  	[simem:s7], [sflag:s8] =	dma.local @!p0 [hbm:s6], $0xF7A  }
0x23: {  	s9 =	sor.u32 $0xD0000000, s2;
	s6 =	simm.s32 $0x108;
	_ =	swait.ge @!p0 [sflag:s8], $0x0  }
0x24: {  	s3 =	sadd.s32 $0x88, s3;
	s6 =	simm.s32 @!p1 $0x1082;
	[sflag:s4] =	ssyncset.s32 $0xFFFFF086  }
0x25: {  	[simem:s6], [sflag:s4] =	dma.local [hbm:s3], $0xF7A  }
0x26: {  	[smem:$0x3F9F] =	sst s1;
	(tag) =	ssettag s2;
	_ =	strace s9  }
0x27: {  	s1 =	sld [smem:$0x3FAF]  }
0x28: {  	s2 =	sld [smem:$0x3FB0]  }
0x29: {  	s4 =	sld [smem:$0x3FB2]  }
0x2a: {  	p0 =	seq.s32 s5, $0x0;
	s5 =	sld [smem:$0x3FB3]  }
0x2b: {  	s6 =	sld [smem:$0x3FB4]  }
0x2c: {  	s7 =	sld [smem:$0x3FB5]  }
0x2d: {  	s3 =	simm.s32 $0x108;
	s8 =	sld [smem:$0x3FB6]  }
0x2e: {  	s3 =	simm.s32 @!p0 $0x1082;
	s9 =	sld [smem:$0x3FB7]  }
0x2f: {  	lr =	sadd.s32 s0, s3;
	s0 =	sld [smem:$0x3FAE]  }
0x30: {  	s3 =	sld [smem:$0x3FB1]  }
0x31: {  	[smem:$0x3FBA] =	sst s10  }
0x32: {  	s10 =	sld [smem:$0x3FB8];
	_ =	sdelay $0x3  }
0x33: {  	p0 =	seq.s32 s10, $0x1;
	s10 =	sld [smem:$0x3FBA];
	_ =	sdelay $0x3  }
0x34: {  	[smem:$0x3FBA] =	sst s10  }
0x35: {  	s10 =	sld [smem:$0x3FB9];
	_ =	sdelay $0x3  }
0x36: {  	p1 =	seq.s32 s10, $0x1;
	s10 =	sld [smem:$0x3FBA];
	_ =	sdelay $0x3  }
0x37: {  	[smem:$0x3FBA] =	sst s10  }
0x38: {  	s10 =	sld [smem:$0x3FBB]  }
0x39: {  	_ = 	snop;
	(pc) =	sbr.ind lr, $3  }
0x3a: {  	_ = 	snop  }
0x3b: {  	_ = 	snop  }
0x3c: {  	p2 =	seq.s32 s10, $0x1;
	s10 =	sld [smem:$0x3FBA]  }
0x3d: {  	_ =	shalt  }
0x3e: {  	_ =	shalt  }
0x3f: {  	_ =	shalt  }
0x40: {  	_ =	shalt  }
0x41: {  	_ =	shalt  }
0x42: {  	_ =	shalt  }
0x43: {  	_ =	shalt  }
0x44: {  	_ =	shalt  }
0x45: {  	_ =	shalt  }
0x46: {  	_ =	shalt  }
0x47: {  	_ =	shalt  }
0x48: {  	_ =	shalt  }
0x49: {  	_ =	shalt  }
0x4a: {  	_ =	shalt  }
0x4b: {  	_ =	shalt  }
0x4c: {  	_ =	shalt  }
0x4d: {  	_ =	shalt  }
0x4e: {  	_ =	shalt  }
0x4f: {  	_ =	shalt  }
0x50: {  	_ =	shalt  }
0x51: {  	_ =	shalt  }
0x52: {  	_ =	shalt  }
0x53: {  	_ =	shalt  }
0x54: {  	_ =	shalt  }
0x55: {  	_ =	shalt  }
0x56: {  	_ =	shalt  }
0x57: {  	_ =	shalt  }
0x58: {  	_ =	shalt  }
0x59: {  	_ =	shalt  }
0x5a: {  	_ =	shalt  }
0x5b: {  	_ =	shalt  }
0x5c: {  	_ =	shalt  }
0x5d: {  	_ =	shalt  }
0x5e: {  	_ =	shalt  }
0x5f: {  	_ =	shalt  }
0x60: {  	_ =	shalt  }
0x61: {  	_ =	shalt  }
0x62: {  	_ =	shalt  }
0x63: {  	_ =	shalt  }
0x64: {  	_ =	shalt  }
0x65: {  	_ =	shalt  }
0x66: {  	_ =	shalt  }
0x67: {  	_ =	shalt  }
0x68: {  	_ =	shalt  }
0x69: {  	_ =	shalt  }
0x6a: {  	_ =	shalt  }
0x6b: {  	_ =	shalt  }
0x6c: {  	_ =	shalt  }
0x6d: {  	_ =	shalt  }
0x6e: {  	_ =	shalt  }
0x6f: {  	_ =	shalt  }
0x70: {  	_ =	shalt  }
0x71: {  	_ =	shalt  }
0x72: {  	_ =	shalt  }
0x73: {  	_ =	shalt  }
0x74: {  	_ =	shalt  }
0x75: {  	_ =	shalt  }
0x76: {  	_ =	shalt  }
0x77: {  	_ =	shalt  }
0x78: {  	_ =	shalt  }
0x79: {  	_ =	shalt  }
0x7a: {  	_ =	shalt  }
0x7b: {  	_ =	shalt  }
0x7c: {  	_ =	shalt  }
0x7d: {  	_ =	shalt  }
0x7e: {  	_ =	shalt  }
0x7f: {  	_ =	shalt  }
0x80: {  	_ =	shalt  }
0x81: {  	_ =	shalt  }
0x82: {  	_ =	shalt  }
0x83: {  	_ =	shalt  }
0x84: {  	_ =	shalt  }
0x85: {  	_ =	shalt  }
0x86: {  	_ =	shalt  }
0x87: {  	_ =	shalt  }
.Lfunc_end0:
.L_simem_size_0:
called_computation_lowered:
.L_overlay_start_0:
0x88: {  	s2 =	sld [smem:$0x3FD9]  }
0x89: {  	s3 =	sld [smem:$0x3FFE];
	_ =	sdelay $0x1  }
0x8a: {  	s1 =	srdreg.scid  }
0x8b: {  	s0 =	sand.u32 $0x1, s1  }
0x8c: {  	s17 =	sshll.u32 s0, $0xA;
	s2 =	sadd.s32 s3, s2  }
0x8d: {  	s2 =	sadd.s32 s2, s17  }
0x8e: {  	[smem:$0x3FC6] =	sst s2  }
0x8f: {  	_ = 	snop  }
0x90: {  	s2 =	sld [smem:$0x3FD0];
	(tm) =	ssettm $0x1  }
0x91: {  	s18 =	sld [smem:$0x3FFB];
	_ =	sdelay $0x3  }
0x92: {  	_ =	strace s18  }
0x93: {  	s3 =	sld [smem:$0x3FFC];
	_ =	sdelay $0x3  }
0x94: {  	_ =	strace s3  }
0x95: {  	s3 =	sld [smem:$0x3FFD];
	_ =	sdelay $0x3  }
0x96: {  	_ =	strace s3  }
0x97: {  	_ =	strace $0x8FFFFFFF  }
0x98: {  	s19 =	sld [smem:$0x3FDB];
	_ =	sdelay $0x1  }
0x99: {  	s4 =	simm.s32 $_scs_section_size  }
0x9a: {  	s5 =	simm.s32 $_size__tile_overlayer_lowered;
	s6 =	simm.s32 $_tile_overlayer_lowered  }
0x9b: {  	s22 =	simm.s32 $0x1BFF;
	s21 =	sshll.u32 s6, $0x1;
	s3 =	sadd.s32 s4, s19  }
0x9c: {  	s7 =	simm.s32 $0x0;
	s20 =	sshll.u32 s5, $0x1;
	s5 =	sadd.s32 s21, s3  }
0x9d: {  	[timem:s7], [sflag:s22] =	dma.local [hbm:s5], s20  }
0x9e: {  	_ =	swait.ge [sflag:s22], s20  }
0x9f: {  	s4 =	ssub.s32 $0x0, s20;
	[sflag:s22] =	ssyncset.done $0x0  }
0xa0: {  	[sflag:s22] =	ssyncadd.s32 s4;
	_ =	sdelay $0x1  }
0xa1: {  	s23 =	simm.s32 $0x1B8B  }
0xa2: {  	_ =	swait.ge [sflag:s23], $0x1  }
0xa3: {  	[sflag:s23] =	ssyncset.done $0x0  }
0xa4: {  	s25 =	simm.s32 $0x1B8E;
	s24 =	sld [smem:$0x3FFE];
	[sflag:s23] =	ssyncadd.s32 $0xFFFFFFFF  }
0xa5: {  	s26 =	simm.s32 $execute0_lowered;
	[smem:$0x3FD2] =	sst s25  }
0xa6: {  	s5 =	sshll.u32 s26, $0x1;
	_ =	strace $0x80000046;
	[dreg:$0x1] =	wrdreg $0xFFFFFFFF  }
0xa7: {  	s28 =	simm.s32 $_size_execute0_lowered;
	s3 =	sadd.s32 s3, s5;
	[dreg:$0x0] =	wrdreg $0x0  }
0xa8: {  	s5 =	sshll.u32 s28, $0x1;
	[dreg:$0x2] =	wrdreg s3  }
0xa9: {  	[dreg:$0x3] =	wrdreg s5  }
0xaa: {  	[dreg:$0x4] =	wrdreg $0xC0  }
0xab: {  	_ =	task [dreg:s7], $0x5FFFF  }
0xac: {  	[dreg:$0x1] =	wrdreg $0xFFFFFFFF  }
0xad: {  	[dreg:$0x0] =	wrdreg $0x60  }
0xae: {  	[dreg:$0x2] =	wrdreg s24  }
0xaf: {  	[dreg:$0x3] =	wrdreg s2  }
0xb0: {  	[dreg:$0x4] =	wrdreg $0x9  }
0xb1: {  	_ =	task.clear_ibuf [dreg:s7], $0x5FFFF;
	_ =	strace $0x90000046  }
0xb2: {  	s29 =	simm.s32 $0x9;
	_ =	strace $0x80000048  }
0xb3: {  	_ =	swait.ge [sflag:s29], $0x1  }
0xb4: {  	[sflag:s29] =	ssyncadd.s32 $0xFFFFFFFF  }
0xb5: {  	_ =	strace $0x90000048  }
0xb6: {  	_ =	sfence  }
0xb7: {  	s30 =	sld [smem:$0x0];
	_ =	sdelay $0x2  }
0xb8: {  	s31 =	sshll.u32 s1, $0xD;
	s1 =	sshrl.u32 s1, $0x2  }
0xb9: {  	s3 =	sand.u32 $0x4000, s31;
	s1 =	sadd.s32 s1, s30  }
0xba: {  	s0 =	sor.u32 s3, s0;
	s1 =	sshll.u32 s1, $0x11  }
0xbb: {  	s0 =	sor.u32 s1, s0  }
0xbc: {  	s0 =	sadd.s32 $0x8F2B, s0  }
0xbd: {  	[sflag:s0] =	ssyncadd.remote.s32 $0x1  }
0xbe: {  	_ =	sfence.sel $0xFFFF  }
0xbf: {  	[dreg:$0x0] =	wrdreg $0xFFFFFFFF;
	(pc) =	sbr.abs _section_cstart, $3  }
0xc0: {  	[dreg:$0x1] =	wrdreg $0xFFFFFFFF  }
0xc1: {  	_ =	task.clear_ibuf [dreg:s7], $0x2FFFF;
	_ =	strace $0x9FFFFFFF  }
0xc2: {  	(tm) =	ssettm $0x7FFFFFFF  }
0xc3: {  	_ =	shalt  }
tec
execute0_lowered:
.L_overlay_start_1:
0x0: {  	(tag) =	ssettag $0x1  }
0x1: {  	s0 =	rddreg [dreg:$0x0];
	s1 =	srdreg.scid  }
0x2: {  	s2 =	stileid.u32;
	s6 =	rddreg [dreg:$0x1];
	s22 =	simm.s32 $0x0  }
0x3: {  	s28 =	simm.s32 $0x4000;
	s19 =	simm.s32 $0x400;
	s3 =	simm.s32 $0x1400  }
0x4: {  	s12 =	simm.s32 $0x1C00;
	s10 =	simm.s32 $0x2800;
	s11 =	simm.s32 $0x2C00  }
0x5: {  	s7 =	simm.s32 $0x3800;
	s8 =	simm.s32 $0x3C00;
	s9 =	simm.s32 $0x4400  }
0x6: {  	s14 =	simm.s32 $0x4800;
	s13 =	simm.s32 $0x4C00;
	s29 =	simm.s32 $0x6000  }
0x7: {  	s30 =	simm.s32 $0x6400;
	s31 =	simm.s32 $0x6800;
	s17 =	simm.s32 $0x0  }
0x8: {  	s1 =	sand.u32 $0x1, s1;
	s2 =	sshll.u32 s2, $0x1;
	[smem:$0x7FF] =	sst s22  }
0x9: {  	s24 =	sadd.s32 $0x4000, s6;
	s25 =	sadd.s32 $0x8000, s6;
	s26 =	sadd.s32 $0xC000, s6  }
0xa: {  	s6 =	simm.s32 $0x3400;
	_ =	strace $0x80000047;
	[dreg:$0x6] =	wrdreg s24  }
0xb: {  	s2 =	sor.u32 s1, s2;
	s1 =	ssub.s32 $0x2, s1;
	[dreg:$0x7] =	wrdreg s25  }
0xc: {  	[dreg:$0x8] =	wrdreg s26;
	s24 =	simm.s32 $0x5400;
	s25 =	simm.s32 $0x5800  }
0xd: {  	s26 =	simm.s32 $0x5C00;
	s4 =	sshll.u32 s2, $0x6;
	s5 =	sshrl.u32 s1, $0x1  }
0xe: {  	s23 =	sshll.u32 s2, $0x9;
	s2 =	simm.s32 $0x3000;
	s4 =	sadd.s32 s4, s0  }
0xf: {  	s0 =	sadd.s32 $0x600, s0;
	s20 =	ssub.s32 s1, s5;
	[dreg:$0x5] =	wrdreg s23  }
0x10: {  	s1 =	simm.s32 $0x1000;
	s5 =	simm.s32 $0x2400;
	s23 =	simm.s32 $0x5000  }
0x11: {  	[dreg:$0x3] =	wrdreg s0;
	s21 =	sadd.s32 $0x1600, s4;
	s0 =	smax.u32 s20, $0x1  }
0x12: {  	s20 =	simm.s32 $0x800;
	s4 =	simm.s32 $0x2000;
	[dreg:$0x4] =	wrdreg s21  }
0x13: {  	v0 =	vlaneseq.u32;
	[dreg:$0x9] =	wrdreg s0;
	s21 =	simm.s32 $0xC00;
	s0 =	simm.s32 $0x1800  }
.LBB2_1:
0x14: {  	[dreg:$0xa] =	wrdreg s17  }
0x15: {  	s15 =	rddreg [dreg:$0x3];
	s16 =	simm.s32 $0x3  }
0x16: {  	[tilespmem:s22], [sflag:$0x3] =	stream.linear.gather [hbm4b:s15+s22], $0x8000, $0x38;
	[tilespmem:$0x12800] =	vst v63  }
0x17: {  	_ =	swait.ge [sflag:s16], $0x8000  }
0x18: {  	s17 =	simm.s32 $0x200;
	[sflag:s16] =	ssyncset.done $0x0  }
0x19: {  	s18 =	simm.s32 $0x8000;
	s15 =	rddreg [dreg:$0x4];
	[sflag:s16] =	ssyncadd.s32 $0xFFFF8000  }
0x1a: {  	[tilespmem:s18], [sflag:$0x3] =	stream.strided.gather [hbm4b:s15+s17], $0x2800, s28, s17, $0x38;
	[tilespmem:$0x12800] =	vst v63  }
0x1b: {  	_ =	swait.ge [sflag:s16], $0x2800  }
0x1c: {  	[sflag:s16] =	ssyncset.done $0x0  }
0x1d: {  	s15 =	simm.s32 $0x8010;
	[sflag:s16] =	ssyncadd.s32 $0xFFFFD800;
	s16 =	simm.s32 $0x0  }
.LBB2_2:
0x1e: {  	s17 =	sand.u32 $0x1, s16;
	p0 =	slt.u32 s16, $0x2  }
0x1f: {  	[dreg:$0xb] =	wrdreg s15;
	s15 =	sadd.s32 @!p0 $0x1, s17  }
0x20: {  	_ =	swait.ge @!p0 [sflag:s15], $0x1000  }
0x21: {  	[sflag:s15] =	ssyncset.done @!p0 $0x0  }
0x22: {  	[sflag:s15] =	ssyncadd.s32 @!p0 $0xFFFFF000  }
0x23: {  	_ =	swait.ge @!p0 [sflag:s15], $0x1000  }
0x24: {  	[sflag:s15] =	ssyncset.done @!p0 $0x0  }
0x25: {  	[sflag:s15] =	ssyncadd.s32 @!p0 $0xFFFFF000  }
0x26: {  	_ =	swait.ge @!p0 [sflag:s15], $0x1000  }
0x27: {  	[sflag:s15] =	ssyncset.done @!p0 $0x0  }
0x28: {  	[sflag:s15] =	ssyncadd.s32 @!p0 $0xFFFFF000  }
0x29: {  	_ =	swait.ge @!p0 [sflag:s15], $0x1000  }
0x2a: {  	s18 =	sshll.u32 s16, $0x9;
	[sflag:s15] =	ssyncset.done @!p0 $0x0  }
0x2b: {  	s18 =	sand.u32 $0x3FFFFE00, s18;
	[sflag:s15] =	ssyncadd.s32 @!p0 $0xFFFFF000  }
0x2c: {  	v1 =	vld [tilespmem:s18+$0x8000];
	_ =	sdelay $0x4  }
0x2d: {  	v1 =	vshll.u32 v1, $0x4  }
0x2e: {  	v8 =	vor.u32 v0, v1;
	_ =	sdelay $0x4  }
0x2f: {  	v1 =	vld.idx.msk [tilespmem:v8+s22+$0x0], $0xffff  }
0x30: {  	v2 =	vld.idx.msk [tilespmem:v8+s19+$0x0], $0xffff  }
0x31: {  	v3 =	vld.idx.msk [tilespmem:v8+s20+$0x0], $0xffff  }
0x32: {  	v4 =	vld.idx.msk [tilespmem:v8+s21+$0x0], $0xffff  }
0x33: {  	v5 =	vld.idx.msk [tilespmem:v8+s1+$0x0], $0xffff  }
0x34: {  	v6 =	vld.idx.msk [tilespmem:v8+s3+$0x0], $0xffff  }
0x35: {  	v7 =	vld.idx.msk [tilespmem:v8+s0+$0x0], $0xffff  }
0x36: {  	s15 =	sshll.u32 s17, $0xE;
	v9 =	vld.idx.msk [tilespmem:v8+s12+$0x0], $0xffff  }
0x37: {  	v10 =	vld.idx.msk [tilespmem:v8+s4+$0x0], $0xffff;
	[tilespmem:s15+$0xA800] =	vst v1  }
0x38: {  	v1 =	vld.idx.msk [tilespmem:v8+s5+$0x0], $0xffff;
	[tilespmem:s15+$0xA880] =	vst v2  }
0x39: {  	v2 =	vld.idx.msk [tilespmem:v8+s10+$0x0], $0xffff;
	[tilespmem:s15+$0xA900] =	vst v3  }
0x3a: {  	v3 =	vld.idx.msk [tilespmem:v8+s11+$0x0], $0xffff;
	[tilespmem:s15+$0xA980] =	vst v4  }
0x3b: {  	v4 =	vld.idx.msk [tilespmem:v8+s2+$0x0], $0xffff;
	[tilespmem:s15+$0xAA00] =	vst v5  }
0x3c: {  	v5 =	vld.idx.msk [tilespmem:v8+s6+$0x0], $0xffff;
	[tilespmem:s15+$0xAA80] =	vst v6  }
0x3d: {  	v6 =	vld.idx.msk [tilespmem:v8+s7+$0x0], $0xffff;
	[tilespmem:s15+$0xAB00] =	vst v7  }
0x3e: {  	v7 =	vld.idx.msk [tilespmem:v8+s8+$0x0], $0xffff;
	[tilespmem:s15+$0xAB80] =	vst v9  }
0x3f: {  	v9 =	vld.idx.msk [tilespmem:v8+s28+$0x0], $0xffff;
	[tilespmem:s15+$0xB800] =	vst v10  }
0x40: {  	v10 =	vld.idx.msk [tilespmem:v8+s9+$0x0], $0xffff;
	[tilespmem:s15+$0xB880] =	vst v1  }
0x41: {  	v11 =	vld.idx.msk [tilespmem:v8+s14+$0x0], $0xffff;
	[tilespmem:s15+$0xB900] =	vst v2  }
0x42: {  	v12 =	vld.idx.msk [tilespmem:v8+s13+$0x0], $0xffff;
	[tilespmem:s15+$0xB980] =	vst v3  }
0x43: {  	[dreg:$0xc] =	wrdreg s16;
	v13 =	vld.idx.msk [tilespmem:v8+s23+$0x0], $0xffff;
	[tilespmem:s15+$0xBA00] =	vst v4  }
0x44: {  	[dreg:$0xd] =	wrdreg s17;
	v14 =	vld.idx.msk [tilespmem:v8+s24+$0x0], $0xffff;
	[tilespmem:s15+$0xBA80] =	vst v5  }
0x45: {  	s18 =	sor.u32 $0xA800, s15;
	s16 =	sadd.s32 $0xC800, s15;
	s17 =	sadd.s32 $0xD800, s15;
	v15 =	vld.idx.msk [tilespmem:v8+s25+$0x0], $0xffff;
	[tilespmem:s15+$0xBB00] =	vst v6  }
0x46: {  	s19 =	sor.u32 $0xB800, s15;
	s20 =	simm.s32 $0x1;
	s21 =	simm.s32 $0x10;
	v16 =	vld.idx.msk [tilespmem:v8+s26+$0x0], $0xffff;
	[tilespmem:s15+$0xBB80] =	vst v7  }
0x47: {  	s3 =	simm.s32 $0x6000;
	s22 =	simm.s32 $0x80;
	s0 =	simm.s32 $0x5000;
	v1 =	vld.idx.msk [tilespmem:v8+s29+$0x0], $0xffff;
	[tilespmem:s15+$0xC800] =	vst v9  }
0x48: {  	s4 =	simm.s32 $0x6400;
	s12 =	simm.s32 $0x6800;
	s1 =	simm.s32 $0x5C00;
	v2 =	vld.idx.msk [tilespmem:v8+s30+$0x0], $0xffff;
	[tilespmem:s15+$0xC880] =	vst v10  }
0x49: {  	s10 =	simm.s32 $0x2800;
	s11 =	simm.s32 $0x2C00;
	s23 =	simm.s32 $0x6C00;
	v3 =	vld.idx.msk [tilespmem:v8+s31+$0x0], $0xffff;
	[tilespmem:s15+$0xC900] =	vst v11  }
0x4a: {  	s2 =	simm.s32 $0x3000;
	s6 =	simm.s32 $0x3400;
	s24 =	simm.s32 $0x7000;
	v4 =	vld.idx.msk [tilespmem:v8+s23+$0x0], $0xffff;
	[tilespmem:s15+$0xC980] =	vst v12  }
0x4b: {  	s7 =	simm.s32 $0x3800;
	s8 =	simm.s32 $0x3C00;
	s25 =	simm.s32 $0x7400;
	v5 =	vld.idx.msk [tilespmem:v8+s24+$0x0], $0xffff;
	[tilespmem:s15+$0xCA00] =	vst v13  }
0x4c: {  	s28 =	simm.s32 $0x7C00;
	s9 =	simm.s32 $0x4400;
	s26 =	simm.s32 $0x7800;
	v7 =	vld.idx.msk [tilespmem:v8+s25+$0x0], $0xffff;
	[tilespmem:s15+$0xCA80] =	vst v14  }
0x4d: {  	s14 =	simm.s32 $0x0;
	s13 =	simm.s32 $0x4800;
	s29 =	simm.s32 $0x4C00;
	v6 =	vld.idx.msk [tilespmem:v8+s26+$0x0], $0xffff;
	[tilespmem:s15+$0xCB00] =	vst v15  }
0x4e: {  	s30 =	simm.s32 $0x5400;
	s31 =	simm.s32 $0x5800;
	s23 =	rddreg [dreg:$0xb];
	v8 =	vld.idx.msk [tilespmem:v8+s28+$0x0], $0xffff;
	[tilespmem:s15+$0xCB80] =	vst v16  }
.LBB2_3:
0x4f: {  	s24 =	sadd.s32 $0xFFFFFFFF, s20  }
0x50: {  	s25 =	sshll.u32 s24, $0x18  }
0x51: {  	s25 =	sshra.s32 s25, $0x1F  }
0x52: {  	s25 =	sand.u32 $0x7, s25  }
0x53: {  	v9 =	vld [tilespmem:s23+$0x0];
	s25 =	sadd.s32 s25, s24  }
0x54: {  	s26 =	sand.u32 $0xFF, s24;
	s28 =	sand.u32 $0xF8, s25  }
0x55: {  	p1 =	slt.u32 s20, $0x2;
	p0 =	sne.s32 s26, s28  }
0x56: {  	p0 =	por !p1, !p0  }
0x57: {  	s25 =	sshll.u32 s25, $0x18;
	s26 =	simm.s32 $0x1;
	p0 =	por !p0, !p0  }
0x58: {  	v9 =	vshll.u32 v9, $0x4;
	s25 =	sshra.s32 s25, $0x1B;
	s26 =	simm.s32 @!p0 $0x0  }
0x59: {  	v9 =	vor.u32 v0, v9;
	s25 =	ssub.s32 s25, s26  }
0x5a: {  	s25 =	sshll.u32 s25, $0xC  }
0x5b: {  	s24 =	sshll.u32 s24, $0x4;
	s25 =	sshra.s32 s25, $0x2  }
0x5c: {  	s24 =	sand.u32 $0x70, s24;
	s25 =	sadd.s32 s25, s17  }
0x5d: {  	s24 =	sadd.s32 s24, s25  }
0x5e: {  	s5 =	simm.s32 $0x400;
	v10 =	vld.idx.msk [tilespmem:v9+s14+$0x0], $0xffff;
	[tilespmem:s24+$0x0] =	vst v1  }
0x5f: {  	s26 =	simm.s32 $0x800;
	v1 =	vld.idx.msk [tilespmem:v9+s5+$0x0], $0xffff;
	[tilespmem:s24+$0x80] =	vst v2  }
0x60: {  	s5 =	simm.s32 $0xC00;
	v2 =	vld.idx.msk [tilespmem:v9+s26+$0x0], $0xffff;
	[tilespmem:s24+$0x100] =	vst v3  }
0x61: {  	s26 =	simm.s32 $0x1000;
	v3 =	vld.idx.msk [tilespmem:v9+s5+$0x0], $0xffff;
	[tilespmem:s24+$0x180] =	vst v4  }
0x62: {  	s5 =	simm.s32 $0x1400;
	v4 =	vld.idx.msk [tilespmem:v9+s26+$0x0], $0xffff;
	[tilespmem:s24+$0x200] =	vst v5  }
0x63: {  	v5 =	vld.idx.msk [tilespmem:v9+s5+$0x0], $0xffff;
	[tilespmem:s24+$0x280] =	vst v7;
	s5 =	simm.s32 $0x1800  }
0x64: {  	s25 =	sand.u32 $0xC00, s22;
	s26 =	simm.s32 $0x1C00;
	v7 =	vld.idx.msk [tilespmem:v9+s5+$0x0], $0xffff;
	[tilespmem:s24+$0x300] =	vst v6  }
0x65: {  	v6 =	vld.idx.msk [tilespmem:v9+s26+$0x0], $0xffff;
	[tilespmem:s24+$0x380] =	vst v8;
	s24 =	sand.u32 $0x70, s21;
	s26 =	sadd.s32 s25, s18  }
0x66: {  	s5 =	simm.s32 $0x2000;
	s26 =	sadd.s32 s24, s26  }
0x67: {  	v8 =	vld.idx.msk [tilespmem:v9+s5+$0x0], $0xffff;
	s5 =	simm.s32 $0x2400;
	[tilespmem:s26+$0x0] =	vst v10  }
0x68: {  	v10 =	vld.idx.msk [tilespmem:v9+s5+$0x0], $0xffff;
	[tilespmem:s26+$0x80] =	vst v1  }
0x69: {  	v1 =	vld.idx.msk [tilespmem:v9+s10+$0x0], $0xffff;
	[tilespmem:s26+$0x100] =	vst v2  }
0x6a: {  	v2 =	vld.idx.msk [tilespmem:v9+s11+$0x0], $0xffff;
	[tilespmem:s26+$0x180] =	vst v3  }
0x6b: {  	v3 =	vld.idx.msk [tilespmem:v9+s2+$0x0], $0xffff;
	[tilespmem:s26+$0x200] =	vst v4  }
0x6c: {  	v4 =	vld.idx.msk [tilespmem:v9+s6+$0x0], $0xffff;
	[tilespmem:s26+$0x280] =	vst v5  }
0x6d: {  	s5 =	sadd.s32 s25, s19;
	v5 =	vld.idx.msk [tilespmem:v9+s7+$0x0], $0xffff;
	[tilespmem:s26+$0x300] =	vst v7  }
0x6e: {  	s28 =	simm.s32 $0x4000;
	v7 =	vld.idx.msk [tilespmem:v9+s8+$0x0], $0xffff;
	[tilespmem:s26+$0x380] =	vst v6;
	s26 =	sadd.s32 s24, s5  }
0x6f: {  	v6 =	vld.idx.msk [tilespmem:v9+s28+$0x0], $0xffff;
	[tilespmem:s26+$0x0] =	vst v8  }
0x70: {  	v8 =	vld.idx.msk [tilespmem:v9+s9+$0x0], $0xffff;
	[tilespmem:s26+$0x80] =	vst v10  }
0x71: {  	v10 =	vld.idx.msk [tilespmem:v9+s13+$0x0], $0xffff;
	[tilespmem:s26+$0x100] =	vst v1  }
0x72: {  	v11 =	vld.idx.msk [tilespmem:v9+s29+$0x0], $0xffff;
	[tilespmem:s26+$0x180] =	vst v2  }
0x73: {  	v12 =	vld.idx.msk [tilespmem:v9+s0+$0x0], $0xffff;
	[tilespmem:s26+$0x200] =	vst v3  }
0x74: {  	v13 =	vld.idx.msk [tilespmem:v9+s30+$0x0], $0xffff;
	[tilespmem:s26+$0x280] =	vst v4  }
0x75: {  	s25 =	sadd.s32 s25, s16;
	v14 =	vld.idx.msk [tilespmem:v9+s31+$0x0], $0xffff;
	[tilespmem:s26+$0x300] =	vst v5  }
0x76: {  	s24 =	sadd.s32 s24, s25;
	v15 =	vld.idx.msk [tilespmem:v9+s1+$0x0], $0xffff;
	[tilespmem:s26+$0x380] =	vst v7  }
0x77: {  	v1 =	vld.idx.msk [tilespmem:v9+s3+$0x0], $0xffff;
	[tilespmem:s24+$0x0] =	vst v6  }
0x78: {  	v2 =	vld.idx.msk [tilespmem:v9+s4+$0x0], $0xffff;
	[tilespmem:s24+$0x80] =	vst v8  }
0x79: {  	p0 =	sne.s32 s20, $0x1F;
	s26 =	simm.s32 $0x6C00;
	v3 =	vld.idx.msk [tilespmem:v9+s12+$0x0], $0xffff;
	[tilespmem:s24+$0x100] =	vst v10  }
.Ltmp0:
0x7a: {  	s5 =	simm.s32 $0x7000;
	v4 =	vld.idx.msk [tilespmem:v9+s26+$0x0], $0xffff;
	[tilespmem:s24+$0x180] =	vst v11;
	(pc) =	sbr.rel @p0 .LBB2_3-.Ltmp0, $4  }
0x7b: {  	s26 =	simm.s32 $0x7400;
	v5 =	vld.idx.msk [tilespmem:v9+s5+$0x0], $0xffff;
	[tilespmem:s24+$0x200] =	vst v12  }
0x7c: {  	s5 =	simm.s32 $0x7800;
	v7 =	vld.idx.msk [tilespmem:v9+s26+$0x0], $0xffff;
	[tilespmem:s24+$0x280] =	vst v13  }
0x7d: {  	s23 =	sadd.s32 $0x10, s23;
	s26 =	simm.s32 $0x7C00;
	v6 =	vld.idx.msk [tilespmem:v9+s5+$0x0], $0xffff;
	[tilespmem:s24+$0x300] =	vst v14  }
0x7e: {  	s20 =	sadd.s32 $0x1, s20;
	s22 =	sadd.s32 $0x80, s22;
	s21 =	sadd.s32 $0x10, s21;
	v8 =	vld.idx.msk [tilespmem:v9+s26+$0x0], $0xffff;
	[tilespmem:s24+$0x380] =	vst v15  }
0x7f: {  	s0 =	rddreg [dreg:$0xc]  }
0x80: {  	s21 =	rddreg [dreg:$0x5]  }
0x81: {  	[tilespmem:s15+$0xE470] =	vst v1;
	s1 =	rddreg [dreg:$0xd]  }
0x82: {  	[tilespmem:s15+$0xE4F0] =	vst v2;
	s14 =	rddreg [dreg:$0x1]  }
0x83: {  	[tilespmem:s15+$0xE570] =	vst v3;
	s23 =	rddreg [dreg:$0x6]  }
0x84: {  	[tilespmem:s15+$0xE5F0] =	vst v4;
	s24 =	rddreg [dreg:$0x7]  }
0x85: {  	s25 =	rddreg [dreg:$0x8];
	[tilespmem:s15+$0xE670] =	vst v5  }
0x86: {  	s22 =	simm.s32 $0x0;
	s26 =	rddreg [dreg:$0xb];
	s20 =	sshll.u32 s0, $0x10;
	[tilespmem:s15+$0xE6F0] =	vst v7  }
0x87: {  	s3 =	simm.s32 $0x1400;
	s12 =	simm.s32 $0x1C00;
	s20 =	sor.u32 s21, s20;
	[tilespmem:s15+$0xE770] =	vst v6  }
0x88: {  	s4 =	simm.s32 $0x2000;
	s13 =	sadd.s32 $0x1, s1;
	s21 =	sadd.s32 s14, s20;
	[tilespmem:s15+$0xE7F0] =	vst v8  }
0x89: {  	[hbm4b:s21+s22] =	stream.linear.scatter [tilespmem:s18], [sflag:s13], $0x1000, $0x38;
	[tilespmem:$0x12800] =	vst v63  }
0x8a: {  	s5 =	simm.s32 $0x2400;
	s10 =	simm.s32 $0x2800;
	s18 =	sadd.s32 s20, s23  }
0x8b: {  	[hbm4b:s18+s22] =	stream.linear.scatter [tilespmem:s19], [sflag:s13], $0x1000, $0x38;
	[tilespmem:$0x12800] =	vst v63  }
0x8c: {  	s11 =	simm.s32 $0x2C00;
	s2 =	simm.s32 $0x3000;
	s18 =	sadd.s32 s20, s24  }
0x8d: {  	[hbm4b:s18+s22] =	stream.linear.scatter [tilespmem:s16], [sflag:s13], $0x1000, $0x38;
	[tilespmem:$0x12800] =	vst v63  }
0x8e: {  	s6 =	simm.s32 $0x3400;
	s7 =	simm.s32 $0x3800;
	s16 =	sadd.s32 s20, s25  }
0x8f: {  	[hbm4b:s16+s22] =	stream.linear.scatter [tilespmem:s17], [sflag:s13], $0x1000, $0x38;
	[tilespmem:$0x12800] =	vst v63  }
0x90: {  	s8 =	simm.s32 $0x3C00;
	s9 =	simm.s32 $0x4400;
	s16 =	sadd.s32 $0x1, s0  }
0x91: {  	s29 =	simm.s32 $0x6000;
	s30 =	simm.s32 $0x6400;
	p0 =	sne.s32 s16, $0x14  }
.Ltmp1:
0x92: {  	s31 =	simm.s32 $0x6800;
	s1 =	simm.s32 $0x1000;
	(pc) =	sbr.rel @p0 .LBB2_2-.Ltmp1, $4  }
0x93: {  	s14 =	simm.s32 $0x4800;
	s15 =	sadd.s32 $0x200, s26;
	s26 =	simm.s32 $0x5C00  }
0x94: {  	s21 =	simm.s32 $0xC00;
	s23 =	simm.s32 $0x5000;
	s19 =	simm.s32 $0x400  }
0x95: {  	s24 =	simm.s32 $0x5400;
	s20 =	simm.s32 $0x800;
	s25 =	simm.s32 $0x5800  }
0x96: {  	s22 =	simm.s32 $0x0;
	s0 =	simm.s32 $0x1800;
	s13 =	simm.s32 $0x4C00  }
0x97: {  	s15 =	simm.s32 $0x1  }
0x98: {  	_ =	swait.ge [sflag:s15], $0x1000  }
0x99: {  	[sflag:s15] =	ssyncset.done $0x0  }
0x9a: {  	[sflag:s15] =	ssyncadd.s32 $0xFFFFF000  }
0x9b: {  	_ =	swait.ge [sflag:s15], $0x1000  }
0x9c: {  	[sflag:s15] =	ssyncset.done $0x0  }
0x9d: {  	[sflag:s15] =	ssyncadd.s32 $0xFFFFF000  }
0x9e: {  	_ =	swait.ge [sflag:s15], $0x1000  }
0x9f: {  	[sflag:s15] =	ssyncset.done $0x0  }
0xa0: {  	[sflag:s15] =	ssyncadd.s32 $0xFFFFF000  }
0xa1: {  	_ =	swait.ge [sflag:s15], $0x1000  }
0xa2: {  	[sflag:s15] =	ssyncset.done $0x0  }
0xa3: {  	s16 =	simm.s32 $0x2;
	[sflag:s15] =	ssyncadd.s32 $0xFFFFF000  }
0xa4: {  	_ =	swait.ge [sflag:s16], $0x1000  }
0xa5: {  	[sflag:s16] =	ssyncset.done $0x0  }
0xa6: {  	[sflag:s16] =	ssyncadd.s32 $0xFFFFF000  }
0xa7: {  	_ =	swait.ge [sflag:s16], $0x1000  }
0xa8: {  	[sflag:s16] =	ssyncset.done $0x0  }
0xa9: {  	[sflag:s16] =	ssyncadd.s32 $0xFFFFF000  }
0xaa: {  	_ =	swait.ge [sflag:s16], $0x1000  }
0xab: {  	[sflag:s16] =	ssyncset.done $0x0  }
0xac: {  	[sflag:s16] =	ssyncadd.s32 $0xFFFFF000  }
0xad: {  	_ =	swait.ge [sflag:s16], $0x1000  }
0xae: {  	s17 =	rddreg [dreg:$0xa]  }
0xaf: {  	s18 =	rddreg [dreg:$0x9];
	s17 =	sadd.s32 $0x1, s17  }
0xb0: {  	p0 =	sne.s32 s17, s18  }
.Ltmp2:
0xb1: {  	_ = 	snop;
	(pc) =	sbr.rel @p0 .LBB2_1-.Ltmp2, $3  }
0xb2: {  	_ =	sdelay $0x1  }
0xb3: {  	[sflag:s16] =	ssyncset.done $0x0  }
0xb4: {  	[sflag:s16] =	ssyncadd.s32 $0xFFFFF000  }
0xb5: {  	_ =	sfence.sel $0x180000  }
0xb6: {  	[bflag:$0x0] =	sbarrier.arrive $0xFFFF  }
0xb7: {  	_ =	strace $0x90000047  }
0xb8: {  	s0 =	stileid.u32;
	[bflag:$0x2] =	sbarrier.arrive $0xFFFF  }
0xb9: {  	p0 =	sne.s32 s0, $0x0;
	s0 =	rddreg [dreg:$0x2]  }
0xba: {  	s0 =	sadd.s32 @!p0 $0x100000, s0  }
0xbb: {  	[sflag:s0] =	ssyncadd.tile.s32 @!p0 $0x1;
	_ =	shalt  }
.Lfunc_end2:
_tile_overlayer_lowered:
.L_overlay_start_2:
0xbc: {  	(tag) =	ssettag $0x2  }
0xbd: {  	s0 =	rddreg [dreg:$0x0];
	s2 =	stileid.u32  }
0xbe: {  	s1 =	rddreg [dreg:$0x1];
	p0 =	sne.s32 s2, $0x0  }
0xbf: {  	s3 =	rddreg [dreg:$0x2];
	[bflag:$0x3] =	sbarrier.arrive $0xFFFF;
	s2 =	simm.s32 @!p0 $0x1C03  }
0xc0: {  	[timem:s3], [sflag:s2] =	dma.local @!p0 [hbm:s0], s1  }
0xc1: {  	s0 =	simm.s32 @!p0 $0x3  }
0xc2: {  	_ =	swait.ge @!p0 [sflag:s0], s1  }
0xc3: {  	s1 =	ssub.s32 @!p0 $0x0, s1;
	[sflag:s0] =	ssyncset.done @!p0 $0x0  }
0xc4: {  	[sflag:s0] =	ssyncadd.s32 @!p0 s1  }
0xc5: {  	[bflag:$0x3] =	sbarrier.arrive $0xFFFF  }
0xc6: {  	_ =	shalt  }

</sc_bundles>
